<compile_context>
chip_gen: v7x
topology: tpu7x:2x2x1
jax: 0.10.2.dev20260603
libtpu: 0.0.44.dev20260713+nightly
codegen_flags: <defaults>
</compile_context>

<pallas_src>
import functools

import jax
import jax.numpy as jnp
from jax import lax
from jax.experimental import pallas as pl
from jax.experimental.pallas import tpu as pltpu
from jax.experimental.pallas import tpu_sc as plsc

N_NODES = 100000
N_EDGES = 200000
D = 128
R = 3
NB = 2

NC = 2
NS = 16
NW = NC * NS

EPW = 6272
EPAD = NW * EPW
G = 128
GPW = EPW // G

CH = 13312
SPS = CH // NS
P = 8
NP = P * CH

ZR = 208


def _sc_body(src_hbm, dst_hbm, x_hbm, z128_hbm, z8_hbm, one8_hbm,
             agg_hbm, deg_hbm,
             src_v, dst_v, off_v, rows_v, ones_v, zrows_v, zdeg_v,
             acc_s, dega_s, sem):
    c = lax.axis_index("c")
    s = lax.axis_index("s")
    wid = s * NC + c

    pltpu.sync_copy(z128_hbm, zrows_v)
    pltpu.sync_copy(z8_hbm, zdeg_v)
    pltpu.sync_copy(one8_hbm, ones_v)

    for r in range(R):
        pltpu.sync_copy(src_hbm.at[pl.ds(r * EPAD + wid * EPW, EPW)], src_v)
        pltpu.sync_copy(dst_hbm.at[pl.ds(r * EPAD + wid * EPW, EPW)], dst_v)

        @pl.loop(0, P)
        def _pass(p):
            base = p * CH

            for j in range(SPS // ZR):
                pltpu.sync_copy(zrows_v, acc_s.at[pl.ds(s * SPS + j * ZR, ZR)])
            pltpu.sync_copy(zdeg_v, dega_s.at[pl.ds(s * SPS, SPS)])
            plsc.subcore_barrier()

            @pl.loop(0, GPW)
            def _chunk(g):
                eb = g * G
                for k in range(G // 16):
                    dv = dst_v[pl.ds(eb + k * 16, 16)]
                    offv = dv - base
                    inr = (offv >= 0) & (offv < CH)
                    off_v[pl.ds(k * 16, 16)] = jnp.where(inr, offv, CH)
                pltpu.async_copy(
                    x_hbm.at[src_v.at[pl.ds(eb, G)]], rows_v, sem).wait()
                pltpu.sync_copy(rows_v, acc_s.at[off_v], add=True)
                pltpu.sync_copy(ones_v, dega_s.at[off_v], add=True)

            plsc.subcore_barrier()
            orow = (c * R + r) * NP + base + s * SPS
            pltpu.sync_copy(acc_s.at[pl.ds(s * SPS, SPS)],
                            agg_hbm.at[pl.ds(orow, SPS)])
            pltpu.sync_copy(dega_s.at[pl.ds(s * SPS, SPS)],
                            deg_hbm.at[pl.ds(orow, SPS)])
            plsc.subcore_barrier()


def _sc_segment_sums(src, dst, x, z128, z8, one8):
    mesh = plsc.VectorSubcoreMesh(core_axis_name="c", subcore_axis_name="s",
                                  num_cores=NC, num_subcores=NS)
    f = pl.kernel(
        _sc_body,
        out_type=(
            jax.ShapeDtypeStruct((NC * R * NP, D), jnp.bfloat16),
            jax.ShapeDtypeStruct((NC * R * NP, 8), jnp.float32),
        ),
        mesh=mesh,
        compiler_params=pltpu.CompilerParams(use_tc_tiling_on_sc=False),
        scratch_types=[
            pltpu.VMEM((EPW,), jnp.int32),
            pltpu.VMEM((EPW,), jnp.int32),
            pltpu.VMEM((G,), jnp.int32),
            pltpu.VMEM((G, D), jnp.bfloat16),
            pltpu.VMEM((G, 8), jnp.float32),
            pltpu.VMEM((ZR, D), jnp.bfloat16),
            pltpu.VMEM((SPS, 8), jnp.float32),
            pltpu.VMEM_SHARED((CH + 8, D), jnp.bfloat16),
            pltpu.VMEM_SHARED((CH + 8, 8), jnp.float32),
            pltpu.SemaphoreType.DMA,
        ],
    )
    return f(src, dst, x, z128, z8, one8)


BLK = 1000


def _tc_body(coeff_ref, agg_ref, deg_ref, x_ref, basis_ref, lw_ref, bias_ref,
             out_ref):
    a4 = agg_ref[...].astype(jnp.float32)
    a = a4[0] + a4[1]
    d4 = deg_ref[...]
    d = d4[0, :, :, 0] + d4[1, :, :, 0]
    an = a / jnp.maximum(d, 1.0)[:, :, None]
    u0 = (coeff_ref[0, 0] * an[0] + coeff_ref[1, 0] * an[1]
          + coeff_ref[2, 0] * an[2])
    u1 = (coeff_ref[0, 1] * an[0] + coeff_ref[1, 1] * an[1]
          + coeff_ref[2, 1] * an[2])
    b = basis_ref[...]
    acc = jnp.dot(u0, b[0], preferred_element_type=jnp.float32)
    acc = acc + jnp.dot(u1, b[1], preferred_element_type=jnp.float32)
    acc = acc + jnp.dot(x_ref[...], lw_ref[...],
                        preferred_element_type=jnp.float32)
    out_ref[...] = acc + bias_ref[...]


def _tc_combine(coeff, agg, deg8, x, basis, loop_weight, bias):
    grid = N_NODES // BLK
    return pl.pallas_call(
        _tc_body,
        grid=(grid,),
        in_specs=[
            pl.BlockSpec(memory_space=pltpu.SMEM),
            pl.BlockSpec((NC, R, BLK, D), lambda i: (0, 0, i, 0)),
            pl.BlockSpec((NC, R, BLK, 8), lambda i: (0, 0, i, 0)),
            pl.BlockSpec((BLK, D), lambda i: (i, 0)),
            pl.BlockSpec((NB, D, D), lambda i: (0, 0, 0)),
            pl.BlockSpec((D, D), lambda i: (0, 0)),
            pl.BlockSpec((1, D), lambda i: (0, 0)),
        ],
        out_specs=pl.BlockSpec((BLK, D), lambda i: (i, 0)),
        out_shape=jax.ShapeDtypeStruct((N_NODES, D), jnp.float32),
    )(coeff, agg, deg8, x, basis, loop_weight, bias)


def kernel(x, basis, coeff, loop_weight, bias, edge_index_0, edge_index_1,
           edge_index_2):
    x = x.astype(jnp.float32)
    src = jnp.stack([edge_index_0[0], edge_index_1[0],
                     edge_index_2[0]]).astype(jnp.int32)
    dst = jnp.stack([edge_index_0[1], edge_index_1[1],
                     edge_index_2[1]]).astype(jnp.int32)
    pad = EPAD - N_EDGES
    src = jnp.pad(src, ((0, 0), (0, pad))).reshape(-1)
    dst = jnp.pad(dst, ((0, 0), (0, pad)),
                  constant_values=2 ** 30).reshape(-1)

    z128 = jnp.zeros((ZR, D), jnp.bfloat16)
    z8 = jnp.zeros((SPS, 8), jnp.float32)
    one8 = jnp.ones((G, 8), jnp.float32)

    agg, deg8 = _sc_segment_sums(src, dst, x.astype(jnp.bfloat16), z128, z8, one8)
    agg = agg.reshape(NC, R, NP, D)
    deg8 = deg8.reshape(NC, R, NP, 8)
    return _tc_combine(coeff, agg, deg8, x, basis, loop_weight,
                       bias.reshape(1, D))

# --- scband reference (transcript-rebuilt; emitter-appended) ---
"""Pipeline reference for scband-rel-graph-conv-layer-32521492365634 (READ-ONLY COPY).

The authoritative reference and input builder live on the scoring server;
editing this copy changes nothing except your own understanding.
"""

import jax, jax.numpy as jnp
import numpy as np

N_NODES = 100000
N_EDGES = 200000
IN_FEAT = 128
OUT_FEAT = 128
NUM_RELS = 3
NUM_BASES = 2


def setup_inputs(seed: int = 0) -> dict:
    key = jax.random.key(seed)
    ks = jax.random.split(key, 10)
    x = jax.random.normal(ks[0], (N_NODES, IN_FEAT), dtype=jnp.float32)
    edge_index_0 = jax.random.randint(ks[1], (2, N_EDGES), 0, N_NODES, dtype=jnp.int64)
    edge_index_1 = jax.random.randint(ks[2], (2, N_EDGES), 0, N_NODES, dtype=jnp.int64)
    edge_index_2 = jax.random.randint(ks[3], (2, N_EDGES), 0, N_NODES, dtype=jnp.int64)
    # Basis-decomposed relation weights: W_r = sum_b coeff[r,b] * basis[b]
    basis = jax.random.normal(ks[4], (NUM_BASES, IN_FEAT, OUT_FEAT), dtype=jnp.float32) / np.sqrt(IN_FEAT)
    coeff = jax.random.normal(ks[5], (NUM_RELS, NUM_BASES), dtype=jnp.float32)
    loop_weight = jax.random.normal(ks[6], (IN_FEAT, OUT_FEAT), dtype=jnp.float32) / np.sqrt(IN_FEAT)
    bias = jnp.zeros((OUT_FEAT,), dtype=jnp.float32)
    return {
        "x": x,
        "basis": basis,
        "coeff": coeff,
        "loop_weight": loop_weight,
        "bias": bias,
        "edge_index_0": edge_index_0,
        "edge_index_1": edge_index_1,
        "edge_index_2": edge_index_2,
    }


def reference(x, basis, coeff, loop_weight, bias, edge_index_0, edge_index_1, edge_index_2):
    # RelGraphConvLayer: per-relation GraphConv(norm='right', weight from basis),
    # aggregate='sum' across relations, plus self-loop and bias. activation=None, dropout=0.
    weights = jnp.einsum('rb,bio->rio', coeff, basis)  # [R, in, out]
    N = x.shape[0]
    out = jnp.zeros((N, weights.shape[2]), dtype=x.dtype)
    for r, ei in enumerate([edge_index_0, edge_index_1, edge_index_2]):
        src = ei[0]
        dst = ei[1]
        msg = jnp.take(x, src, axis=0)                       # gather src features [E, in]
        agg = jax.ops.segment_sum(msg, dst, num_segments=N)  # scatter-add to dst
        deg = jax.ops.segment_sum(jnp.ones((ei.shape[1],), dtype=x.dtype), dst, num_segments=N)
        agg = agg / jnp.maximum(deg, 1.0)[:, None]           # norm='right': divide by in-degree
        out = out + agg @ weights[r]
    out = out + x @ loop_weight  # self-loop
    out = out + bias
    return out

if __name__ == "__main__":
    import jax
    _d = setup_inputs()
    print(jax.jit(kernel)(*tuple(_d.values())))

</pallas_src>

<mosaic_0001>
#map = affine_map<(d0, d1) -> (0)>
#map1 = affine_map<(d0, d1) -> (0, 0)>
module attributes {stable_mosaic.version = 14 : i64} {
  func.func @_sc_body(%arg0: i32, %arg1: i32, %arg2: memref<602112xi32, #tpu.memory_space<hbm>>, %arg3: memref<602112xi32, #tpu.memory_space<hbm>>, %arg4: memref<100000x128xbf16, #tpu.memory_space<hbm>>, %arg5: memref<208x128xbf16, #tpu.memory_space<hbm>>, %arg6: memref<832x8xf32, #tpu.memory_space<hbm>>, %arg7: memref<128x8xf32, #tpu.memory_space<hbm>>, %arg8: memref<638976x128xbf16, #tpu.memory_space<hbm>>, %arg9: memref<638976x8xf32, #tpu.memory_space<hbm>>, %arg10: memref<6272xi32, #tpu.memory_space<vmem>>, %arg11: memref<6272xi32, #tpu.memory_space<vmem>>, %arg12: memref<128xi32, #tpu.memory_space<vmem>>, %arg13: memref<128x128xbf16, #tpu.memory_space<vmem>>, %arg14: memref<128x8xf32, #tpu.memory_space<vmem>>, %arg15: memref<208x128xbf16, #tpu.memory_space<vmem>>, %arg16: memref<832x8xf32, #tpu.memory_space<vmem>>, %arg17: memref<13320x128xbf16, #tpu.memory_space<vmem_shared>>, %arg18: memref<13320x8xf32, #tpu.memory_space<vmem_shared>>, %arg19: memref<!tpu.dma_semaphore, #tpu.memory_space<semaphore_mem>>) attributes {dimension_semantics = [#tpu.dimension_semantics<core_parallel>, #tpu.dimension_semantics<subcore_parallel>], iteration_bounds = array<i64: 2, 16>, scalar_prefetch = 0 : i64, scratch_operands = 10 : i64, tpu.core_type = #tpu.core_type<sc_vector_subcore>, window_params = [{transform_indices = #map}, {transform_indices = #map}, {transform_indices = #map1}, {transform_indices = #map1}, {transform_indices = #map1}, {transform_indices = #map1}, {transform_indices = #map1}, {transform_indices = #map1}]} {
    %mul3A = arith.constant 2 : i32
    %mul3A_0 = arith.muli %arg1, %mul3A : i32
    %add3A = arith.addi %mul3A_0, %arg0 : i32
    "tpu.region"() ({
      %run_scoped3A = tpu.sem_alloc : memref<!tpu.dma_semaphore, #tpu.memory_space<semaphore_mem>>
      tpu.enqueue_dma source(%arg5 : memref<208x128xbf16, #tpu.memory_space<hbm>>) target(%arg15 : memref<208x128xbf16, #tpu.memory_space<vmem>>) target_semaphore(%run_scoped3A : memref<!tpu.dma_semaphore, #tpu.memory_space<semaphore_mem>>)
      tpu.wait_dma2 semaphore(%run_scoped3A : memref<!tpu.dma_semaphore, #tpu.memory_space<semaphore_mem>>) src(%arg5 : memref<208x128xbf16, #tpu.memory_space<hbm>>) dst(%arg15 : memref<208x128xbf16, #tpu.memory_space<vmem>>)
      tpu.yield
    }) : () -> ()
    "tpu.region"() ({
      %run_scoped3A = tpu.sem_alloc : memref<!tpu.dma_semaphore, #tpu.memory_space<semaphore_mem>>
      tpu.enqueue_dma source(%arg6 : memref<832x8xf32, #tpu.memory_space<hbm>>) target(%arg16 : memref<832x8xf32, #tpu.memory_space<vmem>>) target_semaphore(%run_scoped3A : memref<!tpu.dma_semaphore, #tpu.memory_space<semaphore_mem>>)
      tpu.wait_dma2 semaphore(%run_scoped3A : memref<!tpu.dma_semaphore, #tpu.memory_space<semaphore_mem>>) src(%arg6 : memref<832x8xf32, #tpu.memory_space<hbm>>) dst(%arg16 : memref<832x8xf32, #tpu.memory_space<vmem>>)
      tpu.yield
    }) : () -> ()
    "tpu.region"() ({
      %run_scoped3A = tpu.sem_alloc : memref<!tpu.dma_semaphore, #tpu.memory_space<semaphore_mem>>
      tpu.enqueue_dma source(%arg7 : memref<128x8xf32, #tpu.memory_space<hbm>>) target(%arg14 : memref<128x8xf32, #tpu.memory_space<vmem>>) target_semaphore(%run_scoped3A : memref<!tpu.dma_semaphore, #tpu.memory_space<semaphore_mem>>)
      tpu.wait_dma2 semaphore(%run_scoped3A : memref<!tpu.dma_semaphore, #tpu.memory_space<semaphore_mem>>) src(%arg7 : memref<128x8xf32, #tpu.memory_space<hbm>>) dst(%arg14 : memref<128x8xf32, #tpu.memory_space<vmem>>)
      tpu.yield
    }) : () -> ()
    %mul3A_1 = arith.constant 6272 : i32
    %mul3A_2 = arith.muli %add3A, %mul3A_1 : i32
    %add3A_3 = arith.constant 0 : i32
    %add3A_4 = arith.addi %add3A_3, %mul3A_2 : i32
    "tpu.region"() ({
      %run_scoped3A = tpu.sem_alloc : memref<!tpu.dma_semaphore, #tpu.memory_space<semaphore_mem>>
      %dma_start3A = tpu.memref_slice %arg2[%add3A_4] : memref<602112xi32, #tpu.memory_space<hbm>> -> memref<6272xi32, #tpu.memory_space<hbm>>
      %dma_start3A_39 = tpu.memref_slice %arg2[%add3A_4] : memref<602112xi32, #tpu.memory_space<hbm>> -> memref<6272xi32, #tpu.memory_space<hbm>>
      tpu.enqueue_dma source(%dma_start3A_39 : memref<6272xi32, #tpu.memory_space<hbm>>) target(%arg10 : memref<6272xi32, #tpu.memory_space<vmem>>) target_semaphore(%run_scoped3A : memref<!tpu.dma_semaphore, #tpu.memory_space<semaphore_mem>>)
      %dma_wait3A = tpu.memref_slice %arg2[%add3A_4] : memref<602112xi32, #tpu.memory_space<hbm>> -> memref<6272xi32, #tpu.memory_space<hbm>>
      %dma_wait3A_40 = tpu.memref_slice %arg2[%add3A_4] : memref<602112xi32, #tpu.memory_space<hbm>> -> memref<6272xi32, #tpu.memory_space<hbm>>
      tpu.wait_dma2 semaphore(%run_scoped3A : memref<!tpu.dma_semaphore, #tpu.memory_space<semaphore_mem>>) src(%dma_wait3A_40 : memref<6272xi32, #tpu.memory_space<hbm>>) dst(%arg10 : memref<6272xi32, #tpu.memory_space<vmem>>)
      tpu.yield
    }) : () -> ()
    %mul3A_5 = arith.constant 6272 : i32
    %mul3A_6 = arith.muli %add3A, %mul3A_5 : i32
    %add3A_7 = arith.constant 0 : i32
    %add3A_8 = arith.addi %add3A_7, %mul3A_6 : i32
    "tpu.region"() ({
      %run_scoped3A = tpu.sem_alloc : memref<!tpu.dma_semaphore, #tpu.memory_space<semaphore_mem>>
      %dma_start3A = tpu.memref_slice %arg3[%add3A_8] : memref<602112xi32, #tpu.memory_space<hbm>> -> memref<6272xi32, #tpu.memory_space<hbm>>
      %dma_start3A_39 = tpu.memref_slice %arg3[%add3A_8] : memref<602112xi32, #tpu.memory_space<hbm>> -> memref<6272xi32, #tpu.memory_space<hbm>>
      tpu.enqueue_dma source(%dma_start3A_39 : memref<6272xi32, #tpu.memory_space<hbm>>) target(%arg11 : memref<6272xi32, #tpu.memory_space<vmem>>) target_semaphore(%run_scoped3A : memref<!tpu.dma_semaphore, #tpu.memory_space<semaphore_mem>>)
      %dma_wait3A = tpu.memref_slice %arg3[%add3A_8] : memref<602112xi32, #tpu.memory_space<hbm>> -> memref<6272xi32, #tpu.memory_space<hbm>>
      %dma_wait3A_40 = tpu.memref_slice %arg3[%add3A_8] : memref<602112xi32, #tpu.memory_space<hbm>> -> memref<6272xi32, #tpu.memory_space<hbm>>
      tpu.wait_dma2 semaphore(%run_scoped3A : memref<!tpu.dma_semaphore, #tpu.memory_space<semaphore_mem>>) src(%dma_wait3A_40 : memref<6272xi32, #tpu.memory_space<hbm>>) dst(%arg11 : memref<6272xi32, #tpu.memory_space<vmem>>)
      tpu.yield
    }) : () -> ()
    %scan3A = arith.constant 0 : i32
    %scan3A_9 = arith.constant 8 : i32
    %scan3A_10 = arith.addi %scan3A, %scan3A_9 : i32
    %scan3A_11 = arith.constant 1 : i32
    scf.for %scan3A_39 = %scan3A to %scan3A_10 step %scan3A_11  : i32 {
      %mul3A_40 = arith.constant 1 : i32
      %mul3A_41 = arith.muli %scan3A_39, %mul3A_40 : i32
      %add3A_42 = arith.constant 0 : i32
      %add3A_43 = arith.addi %add3A_42, %mul3A_41 : i32
      %mul3A_44 = arith.constant 13312 : i32
      %mul3A_45 = arith.muli %add3A_43, %mul3A_44 : i32
      %mul3A_46 = arith.constant 832 : i32
      %mul3A_47 = arith.muli %arg1, %mul3A_46 : i32
      %add3A_48 = arith.constant 0 : i32
      %add3A_49 = arith.addi %mul3A_47, %add3A_48 : i32
      "tpu.region"() ({
        %run_scoped3A = tpu.sem_alloc : memref<!tpu.dma_semaphore, #tpu.memory_space<semaphore_mem>>
        %dma_start3A = arith.constant 0 : i32
        %dma_start3A_85 = tpu.memref_slice %arg17[%add3A_49, %dma_start3A] : memref<13320x128xbf16, #tpu.memory_space<vmem_shared>> -> memref<208x128xbf16, #tpu.memory_space<vmem_shared>>
        %dma_start3A_86 = arith.constant 0 : i32
        %dma_start3A_87 = tpu.memref_slice %arg17[%add3A_49, %dma_start3A_86] : memref<13320x128xbf16, #tpu.memory_space<vmem_shared>> -> memref<208x128xbf16, #tpu.memory_space<vmem_shared>>
        tpu.enqueue_dma source(%arg15 : memref<208x128xbf16, #tpu.memory_space<vmem>>) target(%dma_start3A_87 : memref<208x128xbf16, #tpu.memory_space<vmem_shared>>) target_semaphore(%run_scoped3A : memref<!tpu.dma_semaphore, #tpu.memory_space<semaphore_mem>>)
        %dma_wait3A = arith.constant 0 : i32
        %dma_wait3A_88 = tpu.memref_slice %arg17[%add3A_49, %dma_wait3A] : memref<13320x128xbf16, #tpu.memory_space<vmem_shared>> -> memref<208x128xbf16, #tpu.memory_space<vmem_shared>>
        %dma_wait3A_89 = arith.constant 0 : i32
        %dma_wait3A_90 = tpu.memref_slice %arg17[%add3A_49, %dma_wait3A_89] : memref<13320x128xbf16, #tpu.memory_space<vmem_shared>> -> memref<208x128xbf16, #tpu.memory_space<vmem_shared>>
        tpu.wait_dma2 semaphore(%run_scoped3A : memref<!tpu.dma_semaphore, #tpu.memory_space<semaphore_mem>>) src(%arg15 : memref<208x128xbf16, #tpu.memory_space<vmem>>) dst(%dma_wait3A_90 : memref<208x128xbf16, #tpu.memory_space<vmem_shared>>)
        tpu.yield
      }) : () -> ()
      %mul3A_50 = arith.constant 832 : i32
      %mul3A_51 = arith.muli %arg1, %mul3A_50 : i32
      %add3A_52 = arith.constant 208 : i32
      %add3A_53 = arith.addi %mul3A_51, %add3A_52 : i32
      "tpu.region"() ({
        %run_scoped3A = tpu.sem_alloc : memref<!tpu.dma_semaphore, #tpu.memory_space<semaphore_mem>>
        %dma_start3A = arith.constant 0 : i32
        %dma_start3A_85 = tpu.memref_slice %arg17[%add3A_53, %dma_start3A] : memref<13320x128xbf16, #tpu.memory_space<vmem_shared>> -> memref<208x128xbf16, #tpu.memory_space<vmem_shared>>
        %dma_start3A_86 = arith.constant 0 : i32
        %dma_start3A_87 = tpu.memref_slice %arg17[%add3A_53, %dma_start3A_86] : memref<13320x128xbf16, #tpu.memory_space<vmem_shared>> -> memref<208x128xbf16, #tpu.memory_space<vmem_shared>>
        tpu.enqueue_dma source(%arg15 : memref<208x128xbf16, #tpu.memory_space<vmem>>) target(%dma_start3A_87 : memref<208x128xbf16, #tpu.memory_space<vmem_shared>>) target_semaphore(%run_scoped3A : memref<!tpu.dma_semaphore, #tpu.memory_space<semaphore_mem>>)
        %dma_wait3A = arith.constant 0 : i32
        %dma_wait3A_88 = tpu.memref_slice %arg17[%add3A_53, %dma_wait3A] : memref<13320x128xbf16, #tpu.memory_space<vmem_shared>> -> memref<208x128xbf16, #tpu.memory_space<vmem_shared>>
        %dma_wait3A_89 = arith.constant 0 : i32
        %dma_wait3A_90 = tpu.memref_slice %arg17[%add3A_53, %dma_wait3A_89] : memref<13320x128xbf16, #tpu.memory_space<vmem_shared>> -> memref<208x128xbf16, #tpu.memory_space<vmem_shared>>
        tpu.wait_dma2 semaphore(%run_scoped3A : memref<!tpu.dma_semaphore, #tpu.memory_space<semaphore_mem>>) src(%arg15 : memref<208x128xbf16, #tpu.memory_space<vmem>>) dst(%dma_wait3A_90 : memref<208x128xbf16, #tpu.memory_space<vmem_shared>>)
        tpu.yield
      }) : () -> ()
      %mul3A_54 = arith.constant 832 : i32
      %mul3A_55 = arith.muli %arg1, %mul3A_54 : i32
      %add3A_56 = arith.constant 416 : i32
      %add3A_57 = arith.addi %mul3A_55, %add3A_56 : i32
      "tpu.region"() ({
        %run_scoped3A = tpu.sem_alloc : memref<!tpu.dma_semaphore, #tpu.memory_space<semaphore_mem>>
        %dma_start3A = arith.constant 0 : i32
        %dma_start3A_85 = tpu.memref_slice %arg17[%add3A_57, %dma_start3A] : memref<13320x128xbf16, #tpu.memory_space<vmem_shared>> -> memref<208x128xbf16, #tpu.memory_space<vmem_shared>>
        %dma_start3A_86 = arith.constant 0 : i32
        %dma_start3A_87 = tpu.memref_slice %arg17[%add3A_57, %dma_start3A_86] : memref<13320x128xbf16, #tpu.memory_space<vmem_shared>> -> memref<208x128xbf16, #tpu.memory_space<vmem_shared>>
        tpu.enqueue_dma source(%arg15 : memref<208x128xbf16, #tpu.memory_space<vmem>>) target(%dma_start3A_87 : memref<208x128xbf16, #tpu.memory_space<vmem_shared>>) target_semaphore(%run_scoped3A : memref<!tpu.dma_semaphore, #tpu.memory_space<semaphore_mem>>)
        %dma_wait3A = arith.constant 0 : i32
        %dma_wait3A_88 = tpu.memref_slice %arg17[%add3A_57, %dma_wait3A] : memref<13320x128xbf16, #tpu.memory_space<vmem_shared>> -> memref<208x128xbf16, #tpu.memory_space<vmem_shared>>
        %dma_wait3A_89 = arith.constant 0 : i32
        %dma_wait3A_90 = tpu.memref_slice %arg17[%add3A_57, %dma_wait3A_89] : memref<13320x128xbf16, #tpu.memory_space<vmem_shared>> -> memref<208x128xbf16, #tpu.memory_space<vmem_shared>>
        tpu.wait_dma2 semaphore(%run_scoped3A : memref<!tpu.dma_semaphore, #tpu.memory_space<semaphore_mem>>) src(%arg15 : memref<208x128xbf16, #tpu.memory_space<vmem>>) dst(%dma_wait3A_90 : memref<208x128xbf16, #tpu.memory_space<vmem_shared>>)
        tpu.yield
      }) : () -> ()
      %mul3A_58 = arith.constant 832 : i32
      %mul3A_59 = arith.muli %arg1, %mul3A_58 : i32
      %add3A_60 = arith.constant 624 : i32
      %add3A_61 = arith.addi %mul3A_59, %add3A_60 : i32
      "tpu.region"() ({
        %run_scoped3A = tpu.sem_alloc : memref<!tpu.dma_semaphore, #tpu.memory_space<semaphore_mem>>
        %dma_start3A = arith.constant 0 : i32
        %dma_start3A_85 = tpu.memref_slice %arg17[%add3A_61, %dma_start3A] : memref<13320x128xbf16, #tpu.memory_space<vmem_shared>> -> memref<208x128xbf16, #tpu.memory_space<vmem_shared>>
        %dma_start3A_86 = arith.constant 0 : i32
        %dma_start3A_87 = tpu.memref_slice %arg17[%add3A_61, %dma_start3A_86] : memref<13320x128xbf16, #tpu.memory_space<vmem_shared>> -> memref<208x128xbf16, #tpu.memory_space<vmem_shared>>
        tpu.enqueue_dma source(%arg15 : memref<208x128xbf16, #tpu.memory_space<vmem>>) target(%dma_start3A_87 : memref<208x128xbf16, #tpu.memory_space<vmem_shared>>) target_semaphore(%run_scoped3A : memref<!tpu.dma_semaphore, #tpu.memory_space<semaphore_mem>>)
        %dma_wait3A = arith.constant 0 : i32
        %dma_wait3A_88 = tpu.memref_slice %arg17[%add3A_61, %dma_wait3A] : memref<13320x128xbf16, #tpu.memory_space<vmem_shared>> -> memref<208x128xbf16, #tpu.memory_space<vmem_shared>>
        %dma_wait3A_89 = arith.constant 0 : i32
        %dma_wait3A_90 = tpu.memref_slice %arg17[%add3A_61, %dma_wait3A_89] : memref<13320x128xbf16, #tpu.memory_space<vmem_shared>> -> memref<208x128xbf16, #tpu.memory_space<vmem_shared>>
        tpu.wait_dma2 semaphore(%run_scoped3A : memref<!tpu.dma_semaphore, #tpu.memory_space<semaphore_mem>>) src(%arg15 : memref<208x128xbf16, #tpu.memory_space<vmem>>) dst(%dma_wait3A_90 : memref<208x128xbf16, #tpu.memory_space<vmem_shared>>)
        tpu.yield
      }) : () -> ()
      %mul3A_62 = arith.constant 832 : i32
      %mul3A_63 = arith.muli %arg1, %mul3A_62 : i32
      "tpu.region"() ({
        %run_scoped3A = tpu.sem_alloc : memref<!tpu.dma_semaphore, #tpu.memory_space<semaphore_mem>>
        %dma_start3A = arith.constant 0 : i32
        %dma_start3A_85 = tpu.memref_slice %arg18[%mul3A_63, %dma_start3A] : memref<13320x8xf32, #tpu.memory_space<vmem_shared>> -> memref<832x8xf32, #tpu.memory_space<vmem_shared>>
        %dma_start3A_86 = arith.constant 0 : i32
        %dma_start3A_87 = tpu.memref_slice %arg18[%mul3A_63, %dma_start3A_86] : memref<13320x8xf32, #tpu.memory_space<vmem_shared>> -> memref<832x8xf32, #tpu.memory_space<vmem_shared>>
        tpu.enqueue_dma source(%arg16 : memref<832x8xf32, #tpu.memory_space<vmem>>) target(%dma_start3A_87 : memref<832x8xf32, #tpu.memory_space<vmem_shared>>) target_semaphore(%run_scoped3A : memref<!tpu.dma_semaphore, #tpu.memory_space<semaphore_mem>>)
        %dma_wait3A = arith.constant 0 : i32
        %dma_wait3A_88 = tpu.memref_slice %arg18[%mul3A_63, %dma_wait3A] : memref<13320x8xf32, #tpu.memory_space<vmem_shared>> -> memref<832x8xf32, #tpu.memory_space<vmem_shared>>
        %dma_wait3A_89 = arith.constant 0 : i32
        %dma_wait3A_90 = tpu.memref_slice %arg18[%mul3A_63, %dma_wait3A_89] : memref<13320x8xf32, #tpu.memory_space<vmem_shared>> -> memref<832x8xf32, #tpu.memory_space<vmem_shared>>
        tpu.wait_dma2 semaphore(%run_scoped3A : memref<!tpu.dma_semaphore, #tpu.memory_space<semaphore_mem>>) src(%arg16 : memref<832x8xf32, #tpu.memory_space<vmem>>) dst(%dma_wait3A_90 : memref<832x8xf32, #tpu.memory_space<vmem_shared>>)
        tpu.yield
      }) : () -> ()
      %barrier3A = arith.constant 0 : index
      tpu.barrier barrier_id(%barrier3A)
      %scan3A_64 = arith.constant 0 : i32
      %scan3A_65 = arith.constant 49 : i32
      %scan3A_66 = arith.addi %scan3A_64, %scan3A_65 : i32
      %scan3A_67 = arith.constant 1 : i32
      scf.for %scan3A_85 = %scan3A_64 to %scan3A_66 step %scan3A_67  : i32 {
        %mul3A_86 = arith.constant 1 : i32
        %mul3A_87 = arith.muli %scan3A_85, %mul3A_86 : i32
        %add3A_88 = arith.constant 0 : i32
        %add3A_89 = arith.addi %add3A_88, %mul3A_87 : i32
        %mul3A_90 = arith.constant 128 : i32
        %mul3A_91 = arith.muli %add3A_89, %mul3A_90 : i32
        %add3A_92 = arith.constant 0 : i32
        %add3A_93 = arith.addi %mul3A_91, %add3A_92 : i32
        %get3A = arith.index_cast %add3A_93 : i32 to index
        %get3A_94 = tpu.vector_load %arg11[%get3A] {strides = array<i32>} : memref<6272xi32, #tpu.memory_space<vmem>>, vector<16xi32>,
        %get3A_95 = vector.shape_cast %get3A_94 : vector<16xi32> to vector<16xi32>
        %sub3A = vector.broadcast %mul3A_45 : i32 to vector<16xi32>
        %sub3A_96 = arith.subi %get3A_95, %sub3A : vector<16xi32>
        %ge3A = arith.constant 0 : i32
        %ge3A_97 = vector.broadcast %ge3A : i32 to vector<16xi32>
        %ge3A_98 = arith.cmpi sge, %sub3A_96, %ge3A_97 : vector<16xi32>
        %lt3A = arith.constant 13312 : i32
        %lt3A_99 = vector.broadcast %lt3A : i32 to vector<16xi32>
        %lt3A_100 = arith.cmpi slt, %sub3A_96, %lt3A_99 : vector<16xi32>
        %and3A = arith.andi %ge3A_98, %lt3A_100 : vector<16xi1>
        %jit3A = arith.constant 13312 : i32
        %broadcast_in_dim3A = vector.broadcast %jit3A : i32 to vector<16xi32>
        %select_n3A = arith.select %and3A, %sub3A_96, %broadcast_in_dim3A : vector<16xi1>, vector<16xi32>
        %swap3A = arith.constant 0 : index
        %swap3A_101 = tpu.vector_load %arg12[%swap3A] {strides = array<i32>} : memref<128xi32, #tpu.memory_space<vmem>>, vector<16xi32>,
        %swap3A_102 = vector.shape_cast %swap3A_101 : vector<16xi32> to vector<16xi32>
        %swap3A_103 = vector.shape_cast %select_n3A : vector<16xi32> to vector<16xi32>
        tpu.vector_store %arg12[%swap3A], %swap3A_103 {strides = array<i32>} : memref<128xi32, #tpu.memory_space<vmem>>, vector<16xi32>,
        %add3A_104 = arith.constant 16 : i32
        %add3A_105 = arith.addi %mul3A_91, %add3A_104 : i32
        %get3A_106 = arith.index_cast %add3A_105 : i32 to index
        %get3A_107 = tpu.vector_load %arg11[%get3A_106] {strides = array<i32>} : memref<6272xi32, #tpu.memory_space<vmem>>, vector<16xi32>,
        %get3A_108 = vector.shape_cast %get3A_107 : vector<16xi32> to vector<16xi32>
        %sub3A_109 = vector.broadcast %mul3A_45 : i32 to vector<16xi32>
        %sub3A_110 = arith.subi %get3A_108, %sub3A_109 : vector<16xi32>
        %ge3A_111 = arith.constant 0 : i32
        %ge3A_112 = vector.broadcast %ge3A_111 : i32 to vector<16xi32>
        %ge3A_113 = arith.cmpi sge, %sub3A_110, %ge3A_112 : vector<16xi32>
        %lt3A_114 = arith.constant 13312 : i32
        %lt3A_115 = vector.broadcast %lt3A_114 : i32 to vector<16xi32>
        %lt3A_116 = arith.cmpi slt, %sub3A_110, %lt3A_115 : vector<16xi32>
        %and3A_117 = arith.andi %ge3A_113, %lt3A_116 : vector<16xi1>
        %jit3A_118 = arith.constant 13312 : i32
        %broadcast_in_dim3A_119 = vector.broadcast %jit3A_118 : i32 to vector<16xi32>
        %select_n3A_120 = arith.select %and3A_117, %sub3A_110, %broadcast_in_dim3A_119 : vector<16xi1>, vector<16xi32>
        %swap3A_121 = arith.constant 16 : index
        %swap3A_122 = tpu.vector_load %arg12[%swap3A_121] {strides = array<i32>} : memref<128xi32, #tpu.memory_space<vmem>>, vector<16xi32>,
        %swap3A_123 = vector.shape_cast %swap3A_122 : vector<16xi32> to vector<16xi32>
        %swap3A_124 = vector.shape_cast %select_n3A_120 : vector<16xi32> to vector<16xi32>
        tpu.vector_store %arg12[%swap3A_121], %swap3A_124 {strides = array<i32>} : memref<128xi32, #tpu.memory_space<vmem>>, vector<16xi32>,
        %add3A_125 = arith.constant 32 : i32
        %add3A_126 = arith.addi %mul3A_91, %add3A_125 : i32
        %get3A_127 = arith.index_cast %add3A_126 : i32 to index
        %get3A_128 = tpu.vector_load %arg11[%get3A_127] {strides = array<i32>} : memref<6272xi32, #tpu.memory_space<vmem>>, vector<16xi32>,
        %get3A_129 = vector.shape_cast %get3A_128 : vector<16xi32> to vector<16xi32>
        %sub3A_130 = vector.broadcast %mul3A_45 : i32 to vector<16xi32>
        %sub3A_131 = arith.subi %get3A_129, %sub3A_130 : vector<16xi32>
        %ge3A_132 = arith.constant 0 : i32
        %ge3A_133 = vector.broadcast %ge3A_132 : i32 to vector<16xi32>
        %ge3A_134 = arith.cmpi sge, %sub3A_131, %ge3A_133 : vector<16xi32>
        %lt3A_135 = arith.constant 13312 : i32
        %lt3A_136 = vector.broadcast %lt3A_135 : i32 to vector<16xi32>
        %lt3A_137 = arith.cmpi slt, %sub3A_131, %lt3A_136 : vector<16xi32>
        %and3A_138 = arith.andi %ge3A_134, %lt3A_137 : vector<16xi1>
        %jit3A_139 = arith.constant 13312 : i32
        %broadcast_in_dim3A_140 = vector.broadcast %jit3A_139 : i32 to vector<16xi32>
        %select_n3A_141 = arith.select %and3A_138, %sub3A_131, %broadcast_in_dim3A_140 : vector<16xi1>, vector<16xi32>
        %swap3A_142 = arith.constant 32 : index
        %swap3A_143 = tpu.vector_load %arg12[%swap3A_142] {strides = array<i32>} : memref<128xi32, #tpu.memory_space<vmem>>, vector<16xi32>,
        %swap3A_144 = vector.shape_cast %swap3A_143 : vector<16xi32> to vector<16xi32>
        %swap3A_145 = vector.shape_cast %select_n3A_141 : vector<16xi32> to vector<16xi32>
        tpu.vector_store %arg12[%swap3A_142], %swap3A_145 {strides = array<i32>} : memref<128xi32, #tpu.memory_space<vmem>>, vector<16xi32>,
        %add3A_146 = arith.constant 48 : i32
        %add3A_147 = arith.addi %mul3A_91, %add3A_146 : i32
        %get3A_148 = arith.index_cast %add3A_147 : i32 to index
        %get3A_149 = tpu.vector_load %arg11[%get3A_148] {strides = array<i32>} : memref<6272xi32, #tpu.memory_space<vmem>>, vector<16xi32>,
        %get3A_150 = vector.shape_cast %get3A_149 : vector<16xi32> to vector<16xi32>
        %sub3A_151 = vector.broadcast %mul3A_45 : i32 to vector<16xi32>
        %sub3A_152 = arith.subi %get3A_150, %sub3A_151 : vector<16xi32>
        %ge3A_153 = arith.constant 0 : i32
        %ge3A_154 = vector.broadcast %ge3A_153 : i32 to vector<16xi32>
        %ge3A_155 = arith.cmpi sge, %sub3A_152, %ge3A_154 : vector<16xi32>
        %lt3A_156 = arith.constant 13312 : i32
        %lt3A_157 = vector.broadcast %lt3A_156 : i32 to vector<16xi32>
        %lt3A_158 = arith.cmpi slt, %sub3A_152, %lt3A_157 : vector<16xi32>
        %and3A_159 = arith.andi %ge3A_155, %lt3A_158 : vector<16xi1>
        %jit3A_160 = arith.constant 13312 : i32
        %broadcast_in_dim3A_161 = vector.broadcast %jit3A_160 : i32 to vector<16xi32>
        %select_n3A_162 = arith.select %and3A_159, %sub3A_152, %broadcast_in_dim3A_161 : vector<16xi1>, vector<16xi32>
        %swap3A_163 = arith.constant 48 : index
        %swap3A_164 = tpu.vector_load %arg12[%swap3A_163] {strides = array<i32>} : memref<128xi32, #tpu.memory_space<vmem>>, vector<16xi32>,
        %swap3A_165 = vector.shape_cast %swap3A_164 : vector<16xi32> to vector<16xi32>
        %swap3A_166 = vector.shape_cast %select_n3A_162 : vector<16xi32> to vector<16xi32>
        tpu.vector_store %arg12[%swap3A_163], %swap3A_166 {strides = array<i32>} : memref<128xi32, #tpu.memory_space<vmem>>, vector<16xi32>,
        %add3A_167 = arith.constant 64 : i32
        %add3A_168 = arith.addi %mul3A_91, %add3A_167 : i32
        %get3A_169 = arith.index_cast %add3A_168 : i32 to index
        %get3A_170 = tpu.vector_load %arg11[%get3A_169] {strides = array<i32>} : memref<6272xi32, #tpu.memory_space<vmem>>, vector<16xi32>,
        %get3A_171 = vector.shape_cast %get3A_170 : vector<16xi32> to vector<16xi32>
        %sub3A_172 = vector.broadcast %mul3A_45 : i32 to vector<16xi32>
        %sub3A_173 = arith.subi %get3A_171, %sub3A_172 : vector<16xi32>
        %ge3A_174 = arith.constant 0 : i32
        %ge3A_175 = vector.broadcast %ge3A_174 : i32 to vector<16xi32>
        %ge3A_176 = arith.cmpi sge, %sub3A_173, %ge3A_175 : vector<16xi32>
        %lt3A_177 = arith.constant 13312 : i32
        %lt3A_178 = vector.broadcast %lt3A_177 : i32 to vector<16xi32>
        %lt3A_179 = arith.cmpi slt, %sub3A_173, %lt3A_178 : vector<16xi32>
        %and3A_180 = arith.andi %ge3A_176, %lt3A_179 : vector<16xi1>
        %jit3A_181 = arith.constant 13312 : i32
        %broadcast_in_dim3A_182 = vector.broadcast %jit3A_181 : i32 to vector<16xi32>
        %select_n3A_183 = arith.select %and3A_180, %sub3A_173, %broadcast_in_dim3A_182 : vector<16xi1>, vector<16xi32>
        %swap3A_184 = arith.constant 64 : index
        %swap3A_185 = tpu.vector_load %arg12[%swap3A_184] {strides = array<i32>} : memref<128xi32, #tpu.memory_space<vmem>>, vector<16xi32>,
        %swap3A_186 = vector.shape_cast %swap3A_185 : vector<16xi32> to vector<16xi32>
        %swap3A_187 = vector.shape_cast %select_n3A_183 : vector<16xi32> to vector<16xi32>
        tpu.vector_store %arg12[%swap3A_184], %swap3A_187 {strides = array<i32>} : memref<128xi32, #tpu.memory_space<vmem>>, vector<16xi32>,
        %add3A_188 = arith.constant 80 : i32
        %add3A_189 = arith.addi %mul3A_91, %add3A_188 : i32
        %get3A_190 = arith.index_cast %add3A_189 : i32 to index
        %get3A_191 = tpu.vector_load %arg11[%get3A_190] {strides = array<i32>} : memref<6272xi32, #tpu.memory_space<vmem>>, vector<16xi32>,
        %get3A_192 = vector.shape_cast %get3A_191 : vector<16xi32> to vector<16xi32>
        %sub3A_193 = vector.broadcast %mul3A_45 : i32 to vector<16xi32>
        %sub3A_194 = arith.subi %get3A_192, %sub3A_193 : vector<16xi32>
        %ge3A_195 = arith.constant 0 : i32
        %ge3A_196 = vector.broadcast %ge3A_195 : i32 to vector<16xi32>
        %ge3A_197 = arith.cmpi sge, %sub3A_194, %ge3A_196 : vector<16xi32>
        %lt3A_198 = arith.constant 13312 : i32
        %lt3A_199 = vector.broadcast %lt3A_198 : i32 to vector<16xi32>
        %lt3A_200 = arith.cmpi slt, %sub3A_194, %lt3A_199 : vector<16xi32>
        %and3A_201 = arith.andi %ge3A_197, %lt3A_200 : vector<16xi1>
        %jit3A_202 = arith.constant 13312 : i32
        %broadcast_in_dim3A_203 = vector.broadcast %jit3A_202 : i32 to vector<16xi32>
        %select_n3A_204 = arith.select %and3A_201, %sub3A_194, %broadcast_in_dim3A_203 : vector<16xi1>, vector<16xi32>
        %swap3A_205 = arith.constant 80 : index
        %swap3A_206 = tpu.vector_load %arg12[%swap3A_205] {strides = array<i32>} : memref<128xi32, #tpu.memory_space<vmem>>, vector<16xi32>,
        %swap3A_207 = vector.shape_cast %swap3A_206 : vector<16xi32> to vector<16xi32>
        %swap3A_208 = vector.shape_cast %select_n3A_204 : vector<16xi32> to vector<16xi32>
        tpu.vector_store %arg12[%swap3A_205], %swap3A_208 {strides = array<i32>} : memref<128xi32, #tpu.memory_space<vmem>>, vector<16xi32>,
        %add3A_209 = arith.constant 96 : i32
        %add3A_210 = arith.addi %mul3A_91, %add3A_209 : i32
        %get3A_211 = arith.index_cast %add3A_210 : i32 to index
        %get3A_212 = tpu.vector_load %arg11[%get3A_211] {strides = array<i32>} : memref<6272xi32, #tpu.memory_space<vmem>>, vector<16xi32>,
        %get3A_213 = vector.shape_cast %get3A_212 : vector<16xi32> to vector<16xi32>
        %sub3A_214 = vector.broadcast %mul3A_45 : i32 to vector<16xi32>
        %sub3A_215 = arith.subi %get3A_213, %sub3A_214 : vector<16xi32>
        %ge3A_216 = arith.constant 0 : i32
        %ge3A_217 = vector.broadcast %ge3A_216 : i32 to vector<16xi32>
        %ge3A_218 = arith.cmpi sge, %sub3A_215, %ge3A_217 : vector<16xi32>
        %lt3A_219 = arith.constant 13312 : i32
        %lt3A_220 = vector.broadcast %lt3A_219 : i32 to vector<16xi32>
        %lt3A_221 = arith.cmpi slt, %sub3A_215, %lt3A_220 : vector<16xi32>
        %and3A_222 = arith.andi %ge3A_218, %lt3A_221 : vector<16xi1>
        %jit3A_223 = arith.constant 13312 : i32
        %broadcast_in_dim3A_224 = vector.broadcast %jit3A_223 : i32 to vector<16xi32>
        %select_n3A_225 = arith.select %and3A_222, %sub3A_215, %broadcast_in_dim3A_224 : vector<16xi1>, vector<16xi32>
        %swap3A_226 = arith.constant 96 : index
        %swap3A_227 = tpu.vector_load %arg12[%swap3A_226] {strides = array<i32>} : memref<128xi32, #tpu.memory_space<vmem>>, vector<16xi32>,
        %swap3A_228 = vector.shape_cast %swap3A_227 : vector<16xi32> to vector<16xi32>
        %swap3A_229 = vector.shape_cast %select_n3A_225 : vector<16xi32> to vector<16xi32>
        tpu.vector_store %arg12[%swap3A_226], %swap3A_229 {strides = array<i32>} : memref<128xi32, #tpu.memory_space<vmem>>, vector<16xi32>,
        %add3A_230 = arith.constant 112 : i32
        %add3A_231 = arith.addi %mul3A_91, %add3A_230 : i32
        %get3A_232 = arith.index_cast %add3A_231 : i32 to index
        %get3A_233 = tpu.vector_load %arg11[%get3A_232] {strides = array<i32>} : memref<6272xi32, #tpu.memory_space<vmem>>, vector<16xi32>,
        %get3A_234 = vector.shape_cast %get3A_233 : vector<16xi32> to vector<16xi32>
        %sub3A_235 = vector.broadcast %mul3A_45 : i32 to vector<16xi32>
        %sub3A_236 = arith.subi %get3A_234, %sub3A_235 : vector<16xi32>
        %ge3A_237 = arith.constant 0 : i32
        %ge3A_238 = vector.broadcast %ge3A_237 : i32 to vector<16xi32>
        %ge3A_239 = arith.cmpi sge, %sub3A_236, %ge3A_238 : vector<16xi32>
        %lt3A_240 = arith.constant 13312 : i32
        %lt3A_241 = vector.broadcast %lt3A_240 : i32 to vector<16xi32>
        %lt3A_242 = arith.cmpi slt, %sub3A_236, %lt3A_241 : vector<16xi32>
        %and3A_243 = arith.andi %ge3A_239, %lt3A_242 : vector<16xi1>
        %jit3A_244 = arith.constant 13312 : i32
        %broadcast_in_dim3A_245 = vector.broadcast %jit3A_244 : i32 to vector<16xi32>
        %select_n3A_246 = arith.select %and3A_243, %sub3A_236, %broadcast_in_dim3A_245 : vector<16xi1>, vector<16xi32>
        %swap3A_247 = arith.constant 112 : index
        %swap3A_248 = tpu.vector_load %arg12[%swap3A_247] {strides = array<i32>} : memref<128xi32, #tpu.memory_space<vmem>>, vector<16xi32>,
        %swap3A_249 = vector.shape_cast %swap3A_248 : vector<16xi32> to vector<16xi32>
        %swap3A_250 = vector.shape_cast %select_n3A_246 : vector<16xi32> to vector<16xi32>
        tpu.vector_store %arg12[%swap3A_247], %swap3A_250 {strides = array<i32>} : memref<128xi32, #tpu.memory_space<vmem>>, vector<16xi32>,
        %dma_start3A = tpu.memref_slice %arg10[%mul3A_91] : memref<6272xi32, #tpu.memory_space<vmem>> -> memref<128xi32, #tpu.memory_space<vmem>>
        %dma_start3A_251 = arith.constant 0 : i32
        %dma_start3A_252 = arith.constant 0 : i32
        %dma_start3A_253 = tpu.memref_slice %arg4[%dma_start3A_251, %dma_start3A_252] : memref<100000x128xbf16, #tpu.memory_space<hbm>> -> memref<100000x128xbf16, #tpu.memory_space<hbm>>
        tpu.enqueue_indirect_dma source(%dma_start3A_253 : memref<100000x128xbf16, #tpu.memory_space<hbm>>) target(%arg13 : memref<128x128xbf16, #tpu.memory_space<vmem>>) offsets(%dma_start3A : memref<128xi32, #tpu.memory_space<vmem>>) semaphore(%arg19 : memref<!tpu.dma_semaphore, #tpu.memory_space<semaphore_mem>>)
        %dma_wait3A = tpu.memref_slice %arg10[%mul3A_91] : memref<6272xi32, #tpu.memory_space<vmem>> -> memref<128xi32, #tpu.memory_space<vmem>>
        %dma_wait3A_254 = arith.constant 0 : i32
        %dma_wait3A_255 = arith.constant 0 : i32
        %dma_wait3A_256 = tpu.memref_slice %arg4[%dma_wait3A_254, %dma_wait3A_255] : memref<100000x128xbf16, #tpu.memory_space<hbm>> -> memref<100000x128xbf16, #tpu.memory_space<hbm>>
        tpu.wait_indirect_dma semaphore(%arg19 : memref<!tpu.dma_semaphore, #tpu.memory_space<semaphore_mem>>) src(%dma_wait3A_256 : memref<100000x128xbf16, #tpu.memory_space<hbm>>) dst(%arg13 : memref<128x128xbf16, #tpu.memory_space<vmem>>)
        "tpu.region"() ({
          %run_scoped3A = tpu.sem_alloc : memref<!tpu.dma_semaphore, #tpu.memory_space<semaphore_mem>>
          %dma_start3A_257 = arith.constant 0 : i32
          %dma_start3A_258 = arith.constant 0 : i32
          %dma_start3A_259 = tpu.memref_slice %arg17[%dma_start3A_257, %dma_start3A_258] : memref<13320x128xbf16, #tpu.memory_space<vmem_shared>> -> memref<13320x128xbf16, #tpu.memory_space<vmem_shared>>
          tpu.enqueue_indirect_dma source(%arg13 : memref<128x128xbf16, #tpu.memory_space<vmem>>) target(%dma_start3A_259 : memref<13320x128xbf16, #tpu.memory_space<vmem_shared>>) offsets(%arg12 : memref<128xi32, #tpu.memory_space<vmem>>) semaphore(%run_scoped3A : memref<!tpu.dma_semaphore, #tpu.memory_space<semaphore_mem>>) {add = true}
          %dma_wait3A_260 = arith.constant 0 : i32
          %dma_wait3A_261 = arith.constant 0 : i32
          %dma_wait3A_262 = tpu.memref_slice %arg17[%dma_wait3A_260, %dma_wait3A_261] : memref<13320x128xbf16, #tpu.memory_space<vmem_shared>> -> memref<13320x128xbf16, #tpu.memory_space<vmem_shared>>
          tpu.wait_indirect_dma semaphore(%run_scoped3A : memref<!tpu.dma_semaphore, #tpu.memory_space<semaphore_mem>>) src(%arg13 : memref<128x128xbf16, #tpu.memory_space<vmem>>) dst(%dma_wait3A_262 : memref<13320x128xbf16, #tpu.memory_space<vmem_shared>>)
          tpu.yield
        }) : () -> ()
        "tpu.region"() ({
          %run_scoped3A = tpu.sem_alloc : memref<!tpu.dma_semaphore, #tpu.memory_space<semaphore_mem>>
          %dma_start3A_257 = arith.constant 0 : i32
          %dma_start3A_258 = arith.constant 0 : i32
          %dma_start3A_259 = tpu.memref_slice %arg18[%dma_start3A_257, %dma_start3A_258] : memref<13320x8xf32, #tpu.memory_space<vmem_shared>> -> memref<13320x8xf32, #tpu.memory_space<vmem_shared>>
          tpu.enqueue_indirect_dma source(%arg14 : memref<128x8xf32, #tpu.memory_space<vmem>>) target(%dma_start3A_259 : memref<13320x8xf32, #tpu.memory_space<vmem_shared>>) offsets(%arg12 : memref<128xi32, #tpu.memory_space<vmem>>) semaphore(%run_scoped3A : memref<!tpu.dma_semaphore, #tpu.memory_space<semaphore_mem>>) {add = true}
          %dma_wait3A_260 = arith.constant 0 : i32
          %dma_wait3A_261 = arith.constant 0 : i32
          %dma_wait3A_262 = tpu.memref_slice %arg18[%dma_wait3A_260, %dma_wait3A_261] : memref<13320x8xf32, #tpu.memory_space<vmem_shared>> -> memref<13320x8xf32, #tpu.memory_space<vmem_shared>>
          tpu.wait_indirect_dma semaphore(%run_scoped3A : memref<!tpu.dma_semaphore, #tpu.memory_space<semaphore_mem>>) src(%arg14 : memref<128x8xf32, #tpu.memory_space<vmem>>) dst(%dma_wait3A_262 : memref<13320x8xf32, #tpu.memory_space<vmem_shared>>)
          tpu.yield
        }) : () -> ()
      }
      %scan3A_68 = arith.constant 49 : i32
      %barrier3A_69 = arith.constant 0 : index
      tpu.barrier barrier_id(%barrier3A_69)
      %mul3A_70 = arith.constant 3 : i32
      %mul3A_71 = arith.muli %arg0, %mul3A_70 : i32
      %add3A_72 = arith.constant 0 : i32
      %add3A_73 = arith.addi %mul3A_71, %add3A_72 : i32
      %mul3A_74 = arith.constant 106496 : i32
      %mul3A_75 = arith.muli %add3A_73, %mul3A_74 : i32
      %add3A_76 = arith.addi %mul3A_75, %mul3A_45 : i32
      %mul3A_77 = arith.constant 832 : i32
      %mul3A_78 = arith.muli %arg1, %mul3A_77 : i32
      %add3A_79 = arith.addi %add3A_76, %mul3A_78 : i32
      %mul3A_80 = arith.constant 832 : i32
      %mul3A_81 = arith.muli %arg1, %mul3A_80 : i32
      "tpu.region"() ({
        %run_scoped3A = tpu.sem_alloc : memref<!tpu.dma_semaphore, #tpu.memory_space<semaphore_mem>>
        %dma_start3A = arith.constant 0 : i32
        %dma_start3A_85 = tpu.memref_slice %arg8[%add3A_79, %dma_start3A] : memref<638976x128xbf16, #tpu.memory_space<hbm>> -> memref<832x128xbf16, #tpu.memory_space<hbm>>
        %dma_start3A_86 = arith.constant 0 : i32
        %dma_start3A_87 = tpu.memref_slice %arg17[%mul3A_81, %dma_start3A_86] : memref<13320x128xbf16, #tpu.memory_space<vmem_shared>> -> memref<832x128xbf16, #tpu.memory_space<vmem_shared>>
        tpu.enqueue_dma source(%dma_start3A_87 : memref<832x128xbf16, #tpu.memory_space<vmem_shared>>) target(%dma_start3A_85 : memref<832x128xbf16, #tpu.memory_space<hbm>>) target_semaphore(%run_scoped3A : memref<!tpu.dma_semaphore, #tpu.memory_space<semaphore_mem>>)
        %dma_wait3A = arith.constant 0 : i32
        %dma_wait3A_88 = tpu.memref_slice %arg8[%add3A_79, %dma_wait3A] : memref<638976x128xbf16, #tpu.memory_space<hbm>> -> memref<832x128xbf16, #tpu.memory_space<hbm>>
        %dma_wait3A_89 = arith.constant 0 : i32
        %dma_wait3A_90 = tpu.memref_slice %arg17[%mul3A_81, %dma_wait3A_89] : memref<13320x128xbf16, #tpu.memory_space<vmem_shared>> -> memref<832x128xbf16, #tpu.memory_space<vmem_shared>>
        tpu.wait_dma2 semaphore(%run_scoped3A : memref<!tpu.dma_semaphore, #tpu.memory_space<semaphore_mem>>) src(%dma_wait3A_90 : memref<832x128xbf16, #tpu.memory_space<vmem_shared>>) dst(%dma_wait3A_88 : memref<832x128xbf16, #tpu.memory_space<hbm>>)
        tpu.yield
      }) : () -> ()
      %mul3A_82 = arith.constant 832 : i32
      %mul3A_83 = arith.muli %arg1, %mul3A_82 : i32
      "tpu.region"() ({
        %run_scoped3A = tpu.sem_alloc : memref<!tpu.dma_semaphore, #tpu.memory_space<semaphore_mem>>
        %dma_start3A = arith.constant 0 : i32
        %dma_start3A_85 = tpu.memref_slice %arg9[%add3A_79, %dma_start3A] : memref<638976x8xf32, #tpu.memory_space<hbm>> -> memref<832x8xf32, #tpu.memory_space<hbm>>
        %dma_start3A_86 = arith.constant 0 : i32
        %dma_start3A_87 = tpu.memref_slice %arg18[%mul3A_83, %dma_start3A_86] : memref<13320x8xf32, #tpu.memory_space<vmem_shared>> -> memref<832x8xf32, #tpu.memory_space<vmem_shared>>
        tpu.enqueue_dma source(%dma_start3A_87 : memref<832x8xf32, #tpu.memory_space<vmem_shared>>) target(%dma_start3A_85 : memref<832x8xf32, #tpu.memory_space<hbm>>) target_semaphore(%run_scoped3A : memref<!tpu.dma_semaphore, #tpu.memory_space<semaphore_mem>>)
        %dma_wait3A = arith.constant 0 : i32
        %dma_wait3A_88 = tpu.memref_slice %arg9[%add3A_79, %dma_wait3A] : memref<638976x8xf32, #tpu.memory_space<hbm>> -> memref<832x8xf32, #tpu.memory_space<hbm>>
        %dma_wait3A_89 = arith.constant 0 : i32
        %dma_wait3A_90 = tpu.memref_slice %arg18[%mul3A_83, %dma_wait3A_89] : memref<13320x8xf32, #tpu.memory_space<vmem_shared>> -> memref<832x8xf32, #tpu.memory_space<vmem_shared>>
        tpu.wait_dma2 semaphore(%run_scoped3A : memref<!tpu.dma_semaphore, #tpu.memory_space<semaphore_mem>>) src(%dma_wait3A_90 : memref<832x8xf32, #tpu.memory_space<vmem_shared>>) dst(%dma_wait3A_88 : memref<832x8xf32, #tpu.memory_space<hbm>>)
        tpu.yield
      }) : () -> ()
      %barrier3A_84 = arith.constant 0 : index
      tpu.barrier barrier_id(%barrier3A_84)
    }
    %scan3A_12 = arith.constant 8 : i32
    %mul3A_13 = arith.constant 6272 : i32
    %mul3A_14 = arith.muli %add3A, %mul3A_13 : i32
    %add3A_15 = arith.constant 200704 : i32
    %add3A_16 = arith.addi %add3A_15, %mul3A_14 : i32
    "tpu.region"() ({
      %run_scoped3A = tpu.sem_alloc : memref<!tpu.dma_semaphore, #tpu.memory_space<semaphore_mem>>
      %dma_start3A = tpu.memref_slice %arg2[%add3A_16] : memref<602112xi32, #tpu.memory_space<hbm>> -> memref<6272xi32, #tpu.memory_space<hbm>>
      %dma_start3A_39 = tpu.memref_slice %arg2[%add3A_16] : memref<602112xi32, #tpu.memory_space<hbm>> -> memref<6272xi32, #tpu.memory_space<hbm>>
      tpu.enqueue_dma source(%dma_start3A_39 : memref<6272xi32, #tpu.memory_space<hbm>>) target(%arg10 : memref<6272xi32, #tpu.memory_space<vmem>>) target_semaphore(%run_scoped3A : memref<!tpu.dma_semaphore, #tpu.memory_space<semaphore_mem>>)
      %dma_wait3A = tpu.memref_slice %arg2[%add3A_16] : memref<602112xi32, #tpu.memory_space<hbm>> -> memref<6272xi32, #tpu.memory_space<hbm>>
      %dma_wait3A_40 = tpu.memref_slice %arg2[%add3A_16] : memref<602112xi32, #tpu.memory_space<hbm>> -> memref<6272xi32, #tpu.memory_space<hbm>>
      tpu.wait_dma2 semaphore(%run_scoped3A : memref<!tpu.dma_semaphore, #tpu.memory_space<semaphore_mem>>) src(%dma_wait3A_40 : memref<6272xi32, #tpu.memory_space<hbm>>) dst(%arg10 : memref<6272xi32, #tpu.memory_space<vmem>>)
      tpu.yield
    }) : () -> ()
    %mul3A_17 = arith.constant 6272 : i32
    %mul3A_18 = arith.muli %add3A, %mul3A_17 : i32
    %add3A_19 = arith.constant 200704 : i32
    %add3A_20 = arith.addi %add3A_19, %mul3A_18 : i32
    "tpu.region"() ({
      %run_scoped3A = tpu.sem_alloc : memref<!tpu.dma_semaphore, #tpu.memory_space<semaphore_mem>>
      %dma_start3A = tpu.memref_slice %arg3[%add3A_20] : memref<602112xi32, #tpu.memory_space<hbm>> -> memref<6272xi32, #tpu.memory_space<hbm>>
      %dma_start3A_39 = tpu.memref_slice %arg3[%add3A_20] : memref<602112xi32, #tpu.memory_space<hbm>> -> memref<6272xi32, #tpu.memory_space<hbm>>
      tpu.enqueue_dma source(%dma_start3A_39 : memref<6272xi32, #tpu.memory_space<hbm>>) target(%arg11 : memref<6272xi32, #tpu.memory_space<vmem>>) target_semaphore(%run_scoped3A : memref<!tpu.dma_semaphore, #tpu.memory_space<semaphore_mem>>)
      %dma_wait3A = tpu.memref_slice %arg3[%add3A_20] : memref<602112xi32, #tpu.memory_space<hbm>> -> memref<6272xi32, #tpu.memory_space<hbm>>
      %dma_wait3A_40 = tpu.memref_slice %arg3[%add3A_20] : memref<602112xi32, #tpu.memory_space<hbm>> -> memref<6272xi32, #tpu.memory_space<hbm>>
      tpu.wait_dma2 semaphore(%run_scoped3A : memref<!tpu.dma_semaphore, #tpu.memory_space<semaphore_mem>>) src(%dma_wait3A_40 : memref<6272xi32, #tpu.memory_space<hbm>>) dst(%arg11 : memref<6272xi32, #tpu.memory_space<vmem>>)
      tpu.yield
    }) : () -> ()
    %scan3A_21 = arith.constant 0 : i32
    %scan3A_22 = arith.constant 8 : i32
    %scan3A_23 = arith.addi %scan3A_21, %scan3A_22 : i32
    %scan3A_24 = arith.constant 1 : i32
    scf.for %scan3A_39 = %scan3A_21 to %scan3A_23 step %scan3A_24  : i32 {
      %mul3A_40 = arith.constant 1 : i32
      %mul3A_41 = arith.muli %scan3A_39, %mul3A_40 : i32
      %add3A_42 = arith.constant 0 : i32
      %add3A_43 = arith.addi %add3A_42, %mul3A_41 : i32
      %mul3A_44 = arith.constant 13312 : i32
      %mul3A_45 = arith.muli %add3A_43, %mul3A_44 : i32
      %mul3A_46 = arith.constant 832 : i32
      %mul3A_47 = arith.muli %arg1, %mul3A_46 : i32
      %add3A_48 = arith.constant 0 : i32
      %add3A_49 = arith.addi %mul3A_47, %add3A_48 : i32
      "tpu.region"() ({
        %run_scoped3A = tpu.sem_alloc : memref<!tpu.dma_semaphore, #tpu.memory_space<semaphore_mem>>
        %dma_start3A = arith.constant 0 : i32
        %dma_start3A_85 = tpu.memref_slice %arg17[%add3A_49, %dma_start3A] : memref<13320x128xbf16, #tpu.memory_space<vmem_shared>> -> memref<208x128xbf16, #tpu.memory_space<vmem_shared>>
        %dma_start3A_86 = arith.constant 0 : i32
        %dma_start3A_87 = tpu.memref_slice %arg17[%add3A_49, %dma_start3A_86] : memref<13320x128xbf16, #tpu.memory_space<vmem_shared>> -> memref<208x128xbf16, #tpu.memory_space<vmem_shared>>
        tpu.enqueue_dma source(%arg15 : memref<208x128xbf16, #tpu.memory_space<vmem>>) target(%dma_start3A_87 : memref<208x128xbf16, #tpu.memory_space<vmem_shared>>) target_semaphore(%run_scoped3A : memref<!tpu.dma_semaphore, #tpu.memory_space<semaphore_mem>>)
        %dma_wait3A = arith.constant 0 : i32
        %dma_wait3A_88 = tpu.memref_slice %arg17[%add3A_49, %dma_wait3A] : memref<13320x128xbf16, #tpu.memory_space<vmem_shared>> -> memref<208x128xbf16, #tpu.memory_space<vmem_shared>>
        %dma_wait3A_89 = arith.constant 0 : i32
        %dma_wait3A_90 = tpu.memref_slice %arg17[%add3A_49, %dma_wait3A_89] : memref<13320x128xbf16, #tpu.memory_space<vmem_shared>> -> memref<208x128xbf16, #tpu.memory_space<vmem_shared>>
        tpu.wait_dma2 semaphore(%run_scoped3A : memref<!tpu.dma_semaphore, #tpu.memory_space<semaphore_mem>>) src(%arg15 : memref<208x128xbf16, #tpu.memory_space<vmem>>) dst(%dma_wait3A_90 : memref<208x128xbf16, #tpu.memory_space<vmem_shared>>)
        tpu.yield
      }) : () -> ()
      %mul3A_50 = arith.constant 832 : i32
      %mul3A_51 = arith.muli %arg1, %mul3A_50 : i32
      %add3A_52 = arith.constant 208 : i32
      %add3A_53 = arith.addi %mul3A_51, %add3A_52 : i32
      "tpu.region"() ({
        %run_scoped3A = tpu.sem_alloc : memref<!tpu.dma_semaphore, #tpu.memory_space<semaphore_mem>>
        %dma_start3A = arith.constant 0 : i32
        %dma_start3A_85 = tpu.memref_slice %arg17[%add3A_53, %dma_start3A] : memref<13320x128xbf16, #tpu.memory_space<vmem_shared>> -> memref<208x128xbf16, #tpu.memory_space<vmem_shared>>
        %dma_start3A_86 = arith.constant 0 : i32
        %dma_start3A_87 = tpu.memref_slice %arg17[%add3A_53, %dma_start3A_86] : memref<13320x128xbf16, #tpu.memory_space<vmem_shared>> -> memref<208x128xbf16, #tpu.memory_space<vmem_shared>>
        tpu.enqueue_dma source(%arg15 : memref<208x128xbf16, #tpu.memory_space<vmem>>) target(%dma_start3A_87 : memref<208x128xbf16, #tpu.memory_space<vmem_shared>>) target_semaphore(%run_scoped3A : memref<!tpu.dma_semaphore, #tpu.memory_space<semaphore_mem>>)
        %dma_wait3A = arith.constant 0 : i32
        %dma_wait3A_88 = tpu.memref_slice %arg17[%add3A_53, %dma_wait3A] : memref<13320x128xbf16, #tpu.memory_space<vmem_shared>> -> memref<208x128xbf16, #tpu.memory_space<vmem_shared>>
        %dma_wait3A_89 = arith.constant 0 : i32
        %dma_wait3A_90 = tpu.memref_slice %arg17[%add3A_53, %dma_wait3A_89] : memref<13320x128xbf16, #tpu.memory_space<vmem_shared>> -> memref<208x128xbf16, #tpu.memory_space<vmem_shared>>
        tpu.wait_dma2 semaphore(%run_scoped3A : memref<!tpu.dma_semaphore, #tpu.memory_space<semaphore_mem>>) src(%arg15 : memref<208x128xbf16, #tpu.memory_space<vmem>>) dst(%dma_wait3A_90 : memref<208x128xbf16, #tpu.memory_space<vmem_shared>>)
        tpu.yield
      }) : () -> ()
      %mul3A_54 = arith.constant 832 : i32
      %mul3A_55 = arith.muli %arg1, %mul3A_54 : i32
      %add3A_56 = arith.constant 416 : i32
      %add3A_57 = arith.addi %mul3A_55, %add3A_56 : i32
      "tpu.region"() ({
        %run_scoped3A = tpu.sem_alloc : memref<!tpu.dma_semaphore, #tpu.memory_space<semaphore_mem>>
        %dma_start3A = arith.constant 0 : i32
        %dma_start3A_85 = tpu.memref_slice %arg17[%add3A_57, %dma_start3A] : memref<13320x128xbf16, #tpu.memory_space<vmem_shared>> -> memref<208x128xbf16, #tpu.memory_space<vmem_shared>>
        %dma_start3A_86 = arith.constant 0 : i32
        %dma_start3A_87 = tpu.memref_slice %arg17[%add3A_57, %dma_start3A_86] : memref<13320x128xbf16, #tpu.memory_space<vmem_shared>> -> memref<208x128xbf16, #tpu.memory_space<vmem_shared>>
        tpu.enqueue_dma source(%arg15 : memref<208x128xbf16, #tpu.memory_space<vmem>>) target(%dma_start3A_87 : memref<208x128xbf16, #tpu.memory_space<vmem_shared>>) target_semaphore(%run_scoped3A : memref<!tpu.dma_semaphore, #tpu.memory_space<semaphore_mem>>)
        %dma_wait3A = arith.constant 0 : i32
        %dma_wait3A_88 = tpu.memref_slice %arg17[%add3A_57, %dma_wait3A] : memref<13320x128xbf16, #tpu.memory_space<vmem_shared>> -> memref<208x128xbf16, #tpu.memory_space<vmem_shared>>
        %dma_wait3A_89 = arith.constant 0 : i32
        %dma_wait3A_90 = tpu.memref_slice %arg17[%add3A_57, %dma_wait3A_89] : memref<13320x128xbf16, #tpu.memory_space<vmem_shared>> -> memref<208x128xbf16, #tpu.memory_space<vmem_shared>>
        tpu.wait_dma2 semaphore(%run_scoped3A : memref<!tpu.dma_semaphore, #tpu.memory_space<semaphore_mem>>) src(%arg15 : memref<208x128xbf16, #tpu.memory_space<vmem>>) dst(%dma_wait3A_90 : memref<208x128xbf16, #tpu.memory_space<vmem_shared>>)
        tpu.yield
      }) : () -> ()
      %mul3A_58 = arith.constant 832 : i32
      %mul3A_59 = arith.muli %arg1, %mul3A_58 : i32
      %add3A_60 = arith.constant 624 : i32
      %add3A_61 = arith.addi %mul3A_59, %add3A_60 : i32
      "tpu.region"() ({
        %run_scoped3A = tpu.sem_alloc : memref<!tpu.dma_semaphore, #tpu.memory_space<semaphore_mem>>
        %dma_start3A = arith.constant 0 : i32
        %dma_start3A_85 = tpu.memref_slice %arg17[%add3A_61, %dma_start3A] : memref<13320x128xbf16, #tpu.memory_space<vmem_shared>> -> memref<208x128xbf16, #tpu.memory_space<vmem_shared>>
        %dma_start3A_86 = arith.constant 0 : i32
        %dma_start3A_87 = tpu.memref_slice %arg17[%add3A_61, %dma_start3A_86] : memref<13320x128xbf16, #tpu.memory_space<vmem_shared>> -> memref<208x128xbf16, #tpu.memory_space<vmem_shared>>
        tpu.enqueue_dma source(%arg15 : memref<208x128xbf16, #tpu.memory_space<vmem>>) target(%dma_start3A_87 : memref<208x128xbf16, #tpu.memory_space<vmem_shared>>) target_semaphore(%run_scoped3A : memref<!tpu.dma_semaphore, #tpu.memory_space<semaphore_mem>>)
        %dma_wait3A = arith.constant 0 : i32
        %dma_wait3A_88 = tpu.memref_slice %arg17[%add3A_61, %dma_wait3A] : memref<13320x128xbf16, #tpu.memory_space<vmem_shared>> -> memref<208x128xbf16, #tpu.memory_space<vmem_shared>>
        %dma_wait3A_89 = arith.constant 0 : i32
        %dma_wait3A_90 = tpu.memref_slice %arg17[%add3A_61, %dma_wait3A_89] : memref<13320x128xbf16, #tpu.memory_space<vmem_shared>> -> memref<208x128xbf16, #tpu.memory_space<vmem_shared>>
        tpu.wait_dma2 semaphore(%run_scoped3A : memref<!tpu.dma_semaphore, #tpu.memory_space<semaphore_mem>>) src(%arg15 : memref<208x128xbf16, #tpu.memory_space<vmem>>) dst(%dma_wait3A_90 : memref<208x128xbf16, #tpu.memory_space<vmem_shared>>)
        tpu.yield
      }) : () -> ()
      %mul3A_62 = arith.constant 832 : i32
      %mul3A_63 = arith.muli %arg1, %mul3A_62 : i32
      "tpu.region"() ({
        %run_scoped3A = tpu.sem_alloc : memref<!tpu.dma_semaphore, #tpu.memory_space<semaphore_mem>>
        %dma_start3A = arith.constant 0 : i32
        %dma_start3A_85 = tpu.memref_slice %arg18[%mul3A_63, %dma_start3A] : memref<13320x8xf32, #tpu.memory_space<vmem_shared>> -> memref<832x8xf32, #tpu.memory_space<vmem_shared>>
        %dma_start3A_86 = arith.constant 0 : i32
        %dma_start3A_87 = tpu.memref_slice %arg18[%mul3A_63, %dma_start3A_86] : memref<13320x8xf32, #tpu.memory_space<vmem_shared>> -> memref<832x8xf32, #tpu.memory_space<vmem_shared>>
        tpu.enqueue_dma source(%arg16 : memref<832x8xf32, #tpu.memory_space<vmem>>) target(%dma_start3A_87 : memref<832x8xf32, #tpu.memory_space<vmem_shared>>) target_semaphore(%run_scoped3A : memref<!tpu.dma_semaphore, #tpu.memory_space<semaphore_mem>>)
        %dma_wait3A = arith.constant 0 : i32
        %dma_wait3A_88 = tpu.memref_slice %arg18[%mul3A_63, %dma_wait3A] : memref<13320x8xf32, #tpu.memory_space<vmem_shared>> -> memref<832x8xf32, #tpu.memory_space<vmem_shared>>
        %dma_wait3A_89 = arith.constant 0 : i32
        %dma_wait3A_90 = tpu.memref_slice %arg18[%mul3A_63, %dma_wait3A_89] : memref<13320x8xf32, #tpu.memory_space<vmem_shared>> -> memref<832x8xf32, #tpu.memory_space<vmem_shared>>
        tpu.wait_dma2 semaphore(%run_scoped3A : memref<!tpu.dma_semaphore, #tpu.memory_space<semaphore_mem>>) src(%arg16 : memref<832x8xf32, #tpu.memory_space<vmem>>) dst(%dma_wait3A_90 : memref<832x8xf32, #tpu.memory_space<vmem_shared>>)
        tpu.yield
      }) : () -> ()
      %barrier3A = arith.constant 0 : index
      tpu.barrier barrier_id(%barrier3A)
      %scan3A_64 = arith.constant 0 : i32
      %scan3A_65 = arith.constant 49 : i32
      %scan3A_66 = arith.addi %scan3A_64, %scan3A_65 : i32
      %scan3A_67 = arith.constant 1 : i32
      scf.for %scan3A_85 = %scan3A_64 to %scan3A_66 step %scan3A_67  : i32 {
        %mul3A_86 = arith.constant 1 : i32
        %mul3A_87 = arith.muli %scan3A_85, %mul3A_86 : i32
        %add3A_88 = arith.constant 0 : i32
        %add3A_89 = arith.addi %add3A_88, %mul3A_87 : i32
        %mul3A_90 = arith.constant 128 : i32
        %mul3A_91 = arith.muli %add3A_89, %mul3A_90 : i32
        %add3A_92 = arith.constant 0 : i32
        %add3A_93 = arith.addi %mul3A_91, %add3A_92 : i32
        %get3A = arith.index_cast %add3A_93 : i32 to index
        %get3A_94 = tpu.vector_load %arg11[%get3A] {strides = array<i32>} : memref<6272xi32, #tpu.memory_space<vmem>>, vector<16xi32>,
        %get3A_95 = vector.shape_cast %get3A_94 : vector<16xi32> to vector<16xi32>
        %sub3A = vector.broadcast %mul3A_45 : i32 to vector<16xi32>
        %sub3A_96 = arith.subi %get3A_95, %sub3A : vector<16xi32>
        %ge3A = arith.constant 0 : i32
        %ge3A_97 = vector.broadcast %ge3A : i32 to vector<16xi32>
        %ge3A_98 = arith.cmpi sge, %sub3A_96, %ge3A_97 : vector<16xi32>
        %lt3A = arith.constant 13312 : i32
        %lt3A_99 = vector.broadcast %lt3A : i32 to vector<16xi32>
        %lt3A_100 = arith.cmpi slt, %sub3A_96, %lt3A_99 : vector<16xi32>
        %and3A = arith.andi %ge3A_98, %lt3A_100 : vector<16xi1>
        %jit3A = arith.constant 13312 : i32
        %broadcast_in_dim3A = vector.broadcast %jit3A : i32 to vector<16xi32>
        %select_n3A = arith.select %and3A, %sub3A_96, %broadcast_in_dim3A : vector<16xi1>, vector<16xi32>
        %swap3A = arith.constant 0 : index
        %swap3A_101 = tpu.vector_load %arg12[%swap3A] {strides = array<i32>} : memref<128xi32, #tpu.memory_space<vmem>>, vector<16xi32>,
        %swap3A_102 = vector.shape_cast %swap3A_101 : vector<16xi32> to vector<16xi32>
        %swap3A_103 = vector.shape_cast %select_n3A : vector<16xi32> to vector<16xi32>
        tpu.vector_store %arg12[%swap3A], %swap3A_103 {strides = array<i32>} : memref<128xi32, #tpu.memory_space<vmem>>, vector<16xi32>,
        %add3A_104 = arith.constant 16 : i32
        %add3A_105 = arith.addi %mul3A_91, %add3A_104 : i32
        %get3A_106 = arith.index_cast %add3A_105 : i32 to index
        %get3A_107 = tpu.vector_load %arg11[%get3A_106] {strides = array<i32>} : memref<6272xi32, #tpu.memory_space<vmem>>, vector<16xi32>,
        %get3A_108 = vector.shape_cast %get3A_107 : vector<16xi32> to vector<16xi32>
        %sub3A_109 = vector.broadcast %mul3A_45 : i32 to vector<16xi32>
        %sub3A_110 = arith.subi %get3A_108, %sub3A_109 : vector<16xi32>
        %ge3A_111 = arith.constant 0 : i32
        %ge3A_112 = vector.broadcast %ge3A_111 : i32 to vector<16xi32>
        %ge3A_113 = arith.cmpi sge, %sub3A_110, %ge3A_112 : vector<16xi32>
        %lt3A_114 = arith.constant 13312 : i32
        %lt3A_115 = vector.broadcast %lt3A_114 : i32 to vector<16xi32>
        %lt3A_116 = arith.cmpi slt, %sub3A_110, %lt3A_115 : vector<16xi32>
        %and3A_117 = arith.andi %ge3A_113, %lt3A_116 : vector<16xi1>
        %jit3A_118 = arith.constant 13312 : i32
        %broadcast_in_dim3A_119 = vector.broadcast %jit3A_118 : i32 to vector<16xi32>
        %select_n3A_120 = arith.select %and3A_117, %sub3A_110, %broadcast_in_dim3A_119 : vector<16xi1>, vector<16xi32>
        %swap3A_121 = arith.constant 16 : index
        %swap3A_122 = tpu.vector_load %arg12[%swap3A_121] {strides = array<i32>} : memref<128xi32, #tpu.memory_space<vmem>>, vector<16xi32>,
        %swap3A_123 = vector.shape_cast %swap3A_122 : vector<16xi32> to vector<16xi32>
        %swap3A_124 = vector.shape_cast %select_n3A_120 : vector<16xi32> to vector<16xi32>
        tpu.vector_store %arg12[%swap3A_121], %swap3A_124 {strides = array<i32>} : memref<128xi32, #tpu.memory_space<vmem>>, vector<16xi32>,
        %add3A_125 = arith.constant 32 : i32
        %add3A_126 = arith.addi %mul3A_91, %add3A_125 : i32
        %get3A_127 = arith.index_cast %add3A_126 : i32 to index
        %get3A_128 = tpu.vector_load %arg11[%get3A_127] {strides = array<i32>} : memref<6272xi32, #tpu.memory_space<vmem>>, vector<16xi32>,
        %get3A_129 = vector.shape_cast %get3A_128 : vector<16xi32> to vector<16xi32>
        %sub3A_130 = vector.broadcast %mul3A_45 : i32 to vector<16xi32>
        %sub3A_131 = arith.subi %get3A_129, %sub3A_130 : vector<16xi32>
        %ge3A_132 = arith.constant 0 : i32
        %ge3A_133 = vector.broadcast %ge3A_132 : i32 to vector<16xi32>
        %ge3A_134 = arith.cmpi sge, %sub3A_131, %ge3A_133 : vector<16xi32>
        %lt3A_135 = arith.constant 13312 : i32
        %lt3A_136 = vector.broadcast %lt3A_135 : i32 to vector<16xi32>
        %lt3A_137 = arith.cmpi slt, %sub3A_131, %lt3A_136 : vector<16xi32>
        %and3A_138 = arith.andi %ge3A_134, %lt3A_137 : vector<16xi1>
        %jit3A_139 = arith.constant 13312 : i32
        %broadcast_in_dim3A_140 = vector.broadcast %jit3A_139 : i32 to vector<16xi32>
        %select_n3A_141 = arith.select %and3A_138, %sub3A_131, %broadcast_in_dim3A_140 : vector<16xi1>, vector<16xi32>
        %swap3A_142 = arith.constant 32 : index
        %swap3A_143 = tpu.vector_load %arg12[%swap3A_142] {strides = array<i32>} : memref<128xi32, #tpu.memory_space<vmem>>, vector<16xi32>,
        %swap3A_144 = vector.shape_cast %swap3A_143 : vector<16xi32> to vector<16xi32>
        %swap3A_145 = vector.shape_cast %select_n3A_141 : vector<16xi32> to vector<16xi32>
        tpu.vector_store %arg12[%swap3A_142], %swap3A_145 {strides = array<i32>} : memref<128xi32, #tpu.memory_space<vmem>>, vector<16xi32>,
        %add3A_146 = arith.constant 48 : i32
        %add3A_147 = arith.addi %mul3A_91, %add3A_146 : i32
        %get3A_148 = arith.index_cast %add3A_147 : i32 to index
        %get3A_149 = tpu.vector_load %arg11[%get3A_148] {strides = array<i32>} : memref<6272xi32, #tpu.memory_space<vmem>>, vector<16xi32>,
        %get3A_150 = vector.shape_cast %get3A_149 : vector<16xi32> to vector<16xi32>
        %sub3A_151 = vector.broadcast %mul3A_45 : i32 to vector<16xi32>
        %sub3A_152 = arith.subi %get3A_150, %sub3A_151 : vector<16xi32>
        %ge3A_153 = arith.constant 0 : i32
        %ge3A_154 = vector.broadcast %ge3A_153 : i32 to vector<16xi32>
        %ge3A_155 = arith.cmpi sge, %sub3A_152, %ge3A_154 : vector<16xi32>
        %lt3A_156 = arith.constant 13312 : i32
        %lt3A_157 = vector.broadcast %lt3A_156 : i32 to vector<16xi32>
        %lt3A_158 = arith.cmpi slt, %sub3A_152, %lt3A_157 : vector<16xi32>
        %and3A_159 = arith.andi %ge3A_155, %lt3A_158 : vector<16xi1>
        %jit3A_160 = arith.constant 13312 : i32
        %broadcast_in_dim3A_161 = vector.broadcast %jit3A_160 : i32 to vector<16xi32>
        %select_n3A_162 = arith.select %and3A_159, %sub3A_152, %broadcast_in_dim3A_161 : vector<16xi1>, vector<16xi32>
        %swap3A_163 = arith.constant 48 : index
        %swap3A_164 = tpu.vector_load %arg12[%swap3A_163] {strides = array<i32>} : memref<128xi32, #tpu.memory_space<vmem>>, vector<16xi32>,
        %swap3A_165 = vector.shape_cast %swap3A_164 : vector<16xi32> to vector<16xi32>
        %swap3A_166 = vector.shape_cast %select_n3A_162 : vector<16xi32> to vector<16xi32>
        tpu.vector_store %arg12[%swap3A_163], %swap3A_166 {strides = array<i32>} : memref<128xi32, #tpu.memory_space<vmem>>, vector<16xi32>,
        %add3A_167 = arith.constant 64 : i32
        %add3A_168 = arith.addi %mul3A_91, %add3A_167 : i32
        %get3A_169 = arith.index_cast %add3A_168 : i32 to index
        %get3A_170 = tpu.vector_load %arg11[%get3A_169] {strides = array<i32>} : memref<6272xi32, #tpu.memory_space<vmem>>, vector<16xi32>,
        %get3A_171 = vector.shape_cast %get3A_170 : vector<16xi32> to vector<16xi32>
        %sub3A_172 = vector.broadcast %mul3A_45 : i32 to vector<16xi32>
        %sub3A_173 = arith.subi %get3A_171, %sub3A_172 : vector<16xi32>
        %ge3A_174 = arith.constant 0 : i32
        %ge3A_175 = vector.broadcast %ge3A_174 : i32 to vector<16xi32>
        %ge3A_176 = arith.cmpi sge, %sub3A_173, %ge3A_175 : vector<16xi32>
        %lt3A_177 = arith.constant 13312 : i32
        %lt3A_178 = vector.broadcast %lt3A_177 : i32 to vector<16xi32>
        %lt3A_179 = arith.cmpi slt, %sub3A_173, %lt3A_178 : vector<16xi32>
        %and3A_180 = arith.andi %ge3A_176, %lt3A_179 : vector<16xi1>
        %jit3A_181 = arith.constant 13312 : i32
        %broadcast_in_dim3A_182 = vector.broadcast %jit3A_181 : i32 to vector<16xi32>
        %select_n3A_183 = arith.select %and3A_180, %sub3A_173, %broadcast_in_dim3A_182 : vector<16xi1>, vector<16xi32>
        %swap3A_184 = arith.constant 64 : index
        %swap3A_185 = tpu.vector_load %arg12[%swap3A_184] {strides = array<i32>} : memref<128xi32, #tpu.memory_space<vmem>>, vector<16xi32>,
        %swap3A_186 = vector.shape_cast %swap3A_185 : vector<16xi32> to vector<16xi32>
        %swap3A_187 = vector.shape_cast %select_n3A_183 : vector<16xi32> to vector<16xi32>
        tpu.vector_store %arg12[%swap3A_184], %swap3A_187 {strides = array<i32>} : memref<128xi32, #tpu.memory_space<vmem>>, vector<16xi32>,
        %add3A_188 = arith.constant 80 : i32
        %add3A_189 = arith.addi %mul3A_91, %add3A_188 : i32
        %get3A_190 = arith.index_cast %add3A_189 : i32 to index
        %get3A_191 = tpu.vector_load %arg11[%get3A_190] {strides = array<i32>} : memref<6272xi32, #tpu.memory_space<vmem>>, vector<16xi32>,
        %get3A_192 = vector.shape_cast %get3A_191 : vector<16xi32> to vector<16xi32>
        %sub3A_193 = vector.broadcast %mul3A_45 : i32 to vector<16xi32>
        %sub3A_194 = arith.subi %get3A_192, %sub3A_193 : vector<16xi32>
        %ge3A_195 = arith.constant 0 : i32
        %ge3A_196 = vector.broadcast %ge3A_195 : i32 to vector<16xi32>
        %ge3A_197 = arith.cmpi sge, %sub3A_194, %ge3A_196 : vector<16xi32>
        %lt3A_198 = arith.constant 13312 : i32
        %lt3A_199 = vector.broadcast %lt3A_198 : i32 to vector<16xi32>
        %lt3A_200 = arith.cmpi slt, %sub3A_194, %lt3A_199 : vector<16xi32>
        %and3A_201 = arith.andi %ge3A_197, %lt3A_200 : vector<16xi1>
        %jit3A_202 = arith.constant 13312 : i32
        %broadcast_in_dim3A_203 = vector.broadcast %jit3A_202 : i32 to vector<16xi32>
        %select_n3A_204 = arith.select %and3A_201, %sub3A_194, %broadcast_in_dim3A_203 : vector<16xi1>, vector<16xi32>
        %swap3A_205 = arith.constant 80 : index
        %swap3A_206 = tpu.vector_load %arg12[%swap3A_205] {strides = array<i32>} : memref<128xi32, #tpu.memory_space<vmem>>, vector<16xi32>,
        %swap3A_207 = vector.shape_cast %swap3A_206 : vector<16xi32> to vector<16xi32>
        %swap3A_208 = vector.shape_cast %select_n3A_204 : vector<16xi32> to vector<16xi32>
        tpu.vector_store %arg12[%swap3A_205], %swap3A_208 {strides = array<i32>} : memref<128xi32, #tpu.memory_space<vmem>>, vector<16xi32>,
        %add3A_209 = arith.constant 96 : i32
        %add3A_210 = arith.addi %mul3A_91, %add3A_209 : i32
        %get3A_211 = arith.index_cast %add3A_210 : i32 to index
        %get3A_212 = tpu.vector_load %arg11[%get3A_211] {strides = array<i32>} : memref<6272xi32, #tpu.memory_space<vmem>>, vector<16xi32>,
        %get3A_213 = vector.shape_cast %get3A_212 : vector<16xi32> to vector<16xi32>
        %sub3A_214 = vector.broadcast %mul3A_45 : i32 to vector<16xi32>
        %sub3A_215 = arith.subi %get3A_213, %sub3A_214 : vector<16xi32>
        %ge3A_216 = arith.constant 0 : i32
        %ge3A_217 = vector.broadcast %ge3A_216 : i32 to vector<16xi32>
        %ge3A_218 = arith.cmpi sge, %sub3A_215, %ge3A_217 : vector<16xi32>
        %lt3A_219 = arith.constant 13312 : i32
        %lt3A_220 = vector.broadcast %lt3A_219 : i32 to vector<16xi32>
        %lt3A_221 = arith.cmpi slt, %sub3A_215, %lt3A_220 : vector<16xi32>
        %and3A_222 = arith.andi %ge3A_218, %lt3A_221 : vector<16xi1>
        %jit3A_223 = arith.constant 13312 : i32
        %broadcast_in_dim3A_224 = vector.broadcast %jit3A_223 : i32 to vector<16xi32>
        %select_n3A_225 = arith.select %and3A_222, %sub3A_215, %broadcast_in_dim3A_224 : vector<16xi1>, vector<16xi32>
        %swap3A_226 = arith.constant 96 : index
        %swap3A_227 = tpu.vector_load %arg12[%swap3A_226] {strides = array<i32>} : memref<128xi32, #tpu.memory_space<vmem>>, vector<16xi32>,
        %swap3A_228 = vector.shape_cast %swap3A_227 : vector<16xi32> to vector<16xi32>
        %swap3A_229 = vector.shape_cast %select_n3A_225 : vector<16xi32> to vector<16xi32>
        tpu.vector_store %arg12[%swap3A_226], %swap3A_229 {strides = array<i32>} : memref<128xi32, #tpu.memory_space<vmem>>, vector<16xi32>,
        %add3A_230 = arith.constant 112 : i32
        %add3A_231 = arith.addi %mul3A_91, %add3A_230 : i32
        %get3A_232 = arith.index_cast %add3A_231 : i32 to index
        %get3A_233 = tpu.vector_load %arg11[%get3A_232] {strides = array<i32>} : memref<6272xi32, #tpu.memory_space<vmem>>, vector<16xi32>,
        %get3A_234 = vector.shape_cast %get3A_233 : vector<16xi32> to vector<16xi32>
        %sub3A_235 = vector.broadcast %mul3A_45 : i32 to vector<16xi32>
        %sub3A_236 = arith.subi %get3A_234, %sub3A_235 : vector<16xi32>
        %ge3A_237 = arith.constant 0 : i32
        %ge3A_238 = vector.broadcast %ge3A_237 : i32 to vector<16xi32>
        %ge3A_239 = arith.cmpi sge, %sub3A_236, %ge3A_238 : vector<16xi32>
        %lt3A_240 = arith.constant 13312 : i32
        %lt3A_241 = vector.broadcast %lt3A_240 : i32 to vector<16xi32>
        %lt3A_242 = arith.cmpi slt, %sub3A_236, %lt3A_241 : vector<16xi32>
        %and3A_243 = arith.andi %ge3A_239, %lt3A_242 : vector<16xi1>
        %jit3A_244 = arith.constant 13312 : i32
        %broadcast_in_dim3A_245 = vector.broadcast %jit3A_244 : i32 to vector<16xi32>
        %select_n3A_246 = arith.select %and3A_243, %sub3A_236, %broadcast_in_dim3A_245 : vector<16xi1>, vector<16xi32>
        %swap3A_247 = arith.constant 112 : index
        %swap3A_248 = tpu.vector_load %arg12[%swap3A_247] {strides = array<i32>} : memref<128xi32, #tpu.memory_space<vmem>>, vector<16xi32>,
        %swap3A_249 = vector.shape_cast %swap3A_248 : vector<16xi32> to vector<16xi32>
        %swap3A_250 = vector.shape_cast %select_n3A_246 : vector<16xi32> to vector<16xi32>
        tpu.vector_store %arg12[%swap3A_247], %swap3A_250 {strides = array<i32>} : memref<128xi32, #tpu.memory_space<vmem>>, vector<16xi32>,
        %dma_start3A = tpu.memref_slice %arg10[%mul3A_91] : memref<6272xi32, #tpu.memory_space<vmem>> -> memref<128xi32, #tpu.memory_space<vmem>>
        %dma_start3A_251 = arith.constant 0 : i32
        %dma_start3A_252 = arith.constant 0 : i32
        %dma_start3A_253 = tpu.memref_slice %arg4[%dma_start3A_251, %dma_start3A_252] : memref<100000x128xbf16, #tpu.memory_space<hbm>> -> memref<100000x128xbf16, #tpu.memory_space<hbm>>
        tpu.enqueue_indirect_dma source(%dma_start3A_253 : memref<100000x128xbf16, #tpu.memory_space<hbm>>) target(%arg13 : memref<128x128xbf16, #tpu.memory_space<vmem>>) offsets(%dma_start3A : memref<128xi32, #tpu.memory_space<vmem>>) semaphore(%arg19 : memref<!tpu.dma_semaphore, #tpu.memory_space<semaphore_mem>>)
        %dma_wait3A = tpu.memref_slice %arg10[%mul3A_91] : memref<6272xi32, #tpu.memory_space<vmem>> -> memref<128xi32, #tpu.memory_space<vmem>>
        %dma_wait3A_254 = arith.constant 0 : i32
        %dma_wait3A_255 = arith.constant 0 : i32
        %dma_wait3A_256 = tpu.memref_slice %arg4[%dma_wait3A_254, %dma_wait3A_255] : memref<100000x128xbf16, #tpu.memory_space<hbm>> -> memref<100000x128xbf16, #tpu.memory_space<hbm>>
        tpu.wait_indirect_dma semaphore(%arg19 : memref<!tpu.dma_semaphore, #tpu.memory_space<semaphore_mem>>) src(%dma_wait3A_256 : memref<100000x128xbf16, #tpu.memory_space<hbm>>) dst(%arg13 : memref<128x128xbf16, #tpu.memory_space<vmem>>)
        "tpu.region"() ({
          %run_scoped3A = tpu.sem_alloc : memref<!tpu.dma_semaphore, #tpu.memory_space<semaphore_mem>>
          %dma_start3A_257 = arith.constant 0 : i32
          %dma_start3A_258 = arith.constant 0 : i32
          %dma_start3A_259 = tpu.memref_slice %arg17[%dma_start3A_257, %dma_start3A_258] : memref<13320x128xbf16, #tpu.memory_space<vmem_shared>> -> memref<13320x128xbf16, #tpu.memory_space<vmem_shared>>
          tpu.enqueue_indirect_dma source(%arg13 : memref<128x128xbf16, #tpu.memory_space<vmem>>) target(%dma_start3A_259 : memref<13320x128xbf16, #tpu.memory_space<vmem_shared>>) offsets(%arg12 : memref<128xi32, #tpu.memory_space<vmem>>) semaphore(%run_scoped3A : memref<!tpu.dma_semaphore, #tpu.memory_space<semaphore_mem>>) {add = true}
          %dma_wait3A_260 = arith.constant 0 : i32
          %dma_wait3A_261 = arith.constant 0 : i32
          %dma_wait3A_262 = tpu.memref_slice %arg17[%dma_wait3A_260, %dma_wait3A_261] : memref<13320x128xbf16, #tpu.memory_space<vmem_shared>> -> memref<13320x128xbf16, #tpu.memory_space<vmem_shared>>
          tpu.wait_indirect_dma semaphore(%run_scoped3A : memref<!tpu.dma_semaphore, #tpu.memory_space<semaphore_mem>>) src(%arg13 : memref<128x128xbf16, #tpu.memory_space<vmem>>) dst(%dma_wait3A_262 : memref<13320x128xbf16, #tpu.memory_space<vmem_shared>>)
          tpu.yield
        }) : () -> ()
        "tpu.region"() ({
          %run_scoped3A = tpu.sem_alloc : memref<!tpu.dma_semaphore, #tpu.memory_space<semaphore_mem>>
          %dma_start3A_257 = arith.constant 0 : i32
          %dma_start3A_258 = arith.constant 0 : i32
          %dma_start3A_259 = tpu.memref_slice %arg18[%dma_start3A_257, %dma_start3A_258] : memref<13320x8xf32, #tpu.memory_space<vmem_shared>> -> memref<13320x8xf32, #tpu.memory_space<vmem_shared>>
          tpu.enqueue_indirect_dma source(%arg14 : memref<128x8xf32, #tpu.memory_space<vmem>>) target(%dma_start3A_259 : memref<13320x8xf32, #tpu.memory_space<vmem_shared>>) offsets(%arg12 : memref<128xi32, #tpu.memory_space<vmem>>) semaphore(%run_scoped3A : memref<!tpu.dma_semaphore, #tpu.memory_space<semaphore_mem>>) {add = true}
          %dma_wait3A_260 = arith.constant 0 : i32
          %dma_wait3A_261 = arith.constant 0 : i32
          %dma_wait3A_262 = tpu.memref_slice %arg18[%dma_wait3A_260, %dma_wait3A_261] : memref<13320x8xf32, #tpu.memory_space<vmem_shared>> -> memref<13320x8xf32, #tpu.memory_space<vmem_shared>>
          tpu.wait_indirect_dma semaphore(%run_scoped3A : memref<!tpu.dma_semaphore, #tpu.memory_space<semaphore_mem>>) src(%arg14 : memref<128x8xf32, #tpu.memory_space<vmem>>) dst(%dma_wait3A_262 : memref<13320x8xf32, #tpu.memory_space<vmem_shared>>)
          tpu.yield
        }) : () -> ()
      }
      %scan3A_68 = arith.constant 49 : i32
      %barrier3A_69 = arith.constant 0 : index
      tpu.barrier barrier_id(%barrier3A_69)
      %mul3A_70 = arith.constant 3 : i32
      %mul3A_71 = arith.muli %arg0, %mul3A_70 : i32
      %add3A_72 = arith.constant 1 : i32
      %add3A_73 = arith.addi %mul3A_71, %add3A_72 : i32
      %mul3A_74 = arith.constant 106496 : i32
      %mul3A_75 = arith.muli %add3A_73, %mul3A_74 : i32
      %add3A_76 = arith.addi %mul3A_75, %mul3A_45 : i32
      %mul3A_77 = arith.constant 832 : i32
      %mul3A_78 = arith.muli %arg1, %mul3A_77 : i32
      %add3A_79 = arith.addi %add3A_76, %mul3A_78 : i32
      %mul3A_80 = arith.constant 832 : i32
      %mul3A_81 = arith.muli %arg1, %mul3A_80 : i32
      "tpu.region"() ({
        %run_scoped3A = tpu.sem_alloc : memref<!tpu.dma_semaphore, #tpu.memory_space<semaphore_mem>>
        %dma_start3A = arith.constant 0 : i32
        %dma_start3A_85 = tpu.memref_slice %arg8[%add3A_79, %dma_start3A] : memref<638976x128xbf16, #tpu.memory_space<hbm>> -> memref<832x128xbf16, #tpu.memory_space<hbm>>
        %dma_start3A_86 = arith.constant 0 : i32
        %dma_start3A_87 = tpu.memref_slice %arg17[%mul3A_81, %dma_start3A_86] : memref<13320x128xbf16, #tpu.memory_space<vmem_shared>> -> memref<832x128xbf16, #tpu.memory_space<vmem_shared>>
        tpu.enqueue_dma source(%dma_start3A_87 : memref<832x128xbf16, #tpu.memory_space<vmem_shared>>) target(%dma_start3A_85 : memref<832x128xbf16, #tpu.memory_space<hbm>>) target_semaphore(%run_scoped3A : memref<!tpu.dma_semaphore, #tpu.memory_space<semaphore_mem>>)
        %dma_wait3A = arith.constant 0 : i32
        %dma_wait3A_88 = tpu.memref_slice %arg8[%add3A_79, %dma_wait3A] : memref<638976x128xbf16, #tpu.memory_space<hbm>> -> memref<832x128xbf16, #tpu.memory_space<hbm>>
        %dma_wait3A_89 = arith.constant 0 : i32
        %dma_wait3A_90 = tpu.memref_slice %arg17[%mul3A_81, %dma_wait3A_89] : memref<13320x128xbf16, #tpu.memory_space<vmem_shared>> -> memref<832x128xbf16, #tpu.memory_space<vmem_shared>>
        tpu.wait_dma2 semaphore(%run_scoped3A : memref<!tpu.dma_semaphore, #tpu.memory_space<semaphore_mem>>) src(%dma_wait3A_90 : memref<832x128xbf16, #tpu.memory_space<vmem_shared>>) dst(%dma_wait3A_88 : memref<832x128xbf16, #tpu.memory_space<hbm>>)
        tpu.yield
      }) : () -> ()
      %mul3A_82 = arith.constant 832 : i32
      %mul3A_83 = arith.muli %arg1, %mul3A_82 : i32
      "tpu.region"() ({
        %run_scoped3A = tpu.sem_alloc : memref<!tpu.dma_semaphore, #tpu.memory_space<semaphore_mem>>
        %dma_start3A = arith.constant 0 : i32
        %dma_start3A_85 = tpu.memref_slice %arg9[%add3A_79, %dma_start3A] : memref<638976x8xf32, #tpu.memory_space<hbm>> -> memref<832x8xf32, #tpu.memory_space<hbm>>
        %dma_start3A_86 = arith.constant 0 : i32
        %dma_start3A_87 = tpu.memref_slice %arg18[%mul3A_83, %dma_start3A_86] : memref<13320x8xf32, #tpu.memory_space<vmem_shared>> -> memref<832x8xf32, #tpu.memory_space<vmem_shared>>
        tpu.enqueue_dma source(%dma_start3A_87 : memref<832x8xf32, #tpu.memory_space<vmem_shared>>) target(%dma_start3A_85 : memref<832x8xf32, #tpu.memory_space<hbm>>) target_semaphore(%run_scoped3A : memref<!tpu.dma_semaphore, #tpu.memory_space<semaphore_mem>>)
        %dma_wait3A = arith.constant 0 : i32
        %dma_wait3A_88 = tpu.memref_slice %arg9[%add3A_79, %dma_wait3A] : memref<638976x8xf32, #tpu.memory_space<hbm>> -> memref<832x8xf32, #tpu.memory_space<hbm>>
        %dma_wait3A_89 = arith.constant 0 : i32
        %dma_wait3A_90 = tpu.memref_slice %arg18[%mul3A_83, %dma_wait3A_89] : memref<13320x8xf32, #tpu.memory_space<vmem_shared>> -> memref<832x8xf32, #tpu.memory_space<vmem_shared>>
        tpu.wait_dma2 semaphore(%run_scoped3A : memref<!tpu.dma_semaphore, #tpu.memory_space<semaphore_mem>>) src(%dma_wait3A_90 : memref<832x8xf32, #tpu.memory_space<vmem_shared>>) dst(%dma_wait3A_88 : memref<832x8xf32, #tpu.memory_space<hbm>>)
        tpu.yield
      }) : () -> ()
      %barrier3A_84 = arith.constant 0 : index
      tpu.barrier barrier_id(%barrier3A_84)
    }
    %scan3A_25 = arith.constant 8 : i32
    %mul3A_26 = arith.constant 6272 : i32
    %mul3A_27 = arith.muli %add3A, %mul3A_26 : i32
    %add3A_28 = arith.constant 401408 : i32
    %add3A_29 = arith.addi %add3A_28, %mul3A_27 : i32
    "tpu.region"() ({
      %run_scoped3A = tpu.sem_alloc : memref<!tpu.dma_semaphore, #tpu.memory_space<semaphore_mem>>
      %dma_start3A = tpu.memref_slice %arg2[%add3A_29] : memref<602112xi32, #tpu.memory_space<hbm>> -> memref<6272xi32, #tpu.memory_space<hbm>>
      %dma_start3A_39 = tpu.memref_slice %arg2[%add3A_29] : memref<602112xi32, #tpu.memory_space<hbm>> -> memref<6272xi32, #tpu.memory_space<hbm>>
      tpu.enqueue_dma source(%dma_start3A_39 : memref<6272xi32, #tpu.memory_space<hbm>>) target(%arg10 : memref<6272xi32, #tpu.memory_space<vmem>>) target_semaphore(%run_scoped3A : memref<!tpu.dma_semaphore, #tpu.memory_space<semaphore_mem>>)
      %dma_wait3A = tpu.memref_slice %arg2[%add3A_29] : memref<602112xi32, #tpu.memory_space<hbm>> -> memref<6272xi32, #tpu.memory_space<hbm>>
      %dma_wait3A_40 = tpu.memref_slice %arg2[%add3A_29] : memref<602112xi32, #tpu.memory_space<hbm>> -> memref<6272xi32, #tpu.memory_space<hbm>>
      tpu.wait_dma2 semaphore(%run_scoped3A : memref<!tpu.dma_semaphore, #tpu.memory_space<semaphore_mem>>) src(%dma_wait3A_40 : memref<6272xi32, #tpu.memory_space<hbm>>) dst(%arg10 : memref<6272xi32, #tpu.memory_space<vmem>>)
      tpu.yield
    }) : () -> ()
    %mul3A_30 = arith.constant 6272 : i32
    %mul3A_31 = arith.muli %add3A, %mul3A_30 : i32
    %add3A_32 = arith.constant 401408 : i32
    %add3A_33 = arith.addi %add3A_32, %mul3A_31 : i32
    "tpu.region"() ({
      %run_scoped3A = tpu.sem_alloc : memref<!tpu.dma_semaphore, #tpu.memory_space<semaphore_mem>>
      %dma_start3A = tpu.memref_slice %arg3[%add3A_33] : memref<602112xi32, #tpu.memory_space<hbm>> -> memref<6272xi32, #tpu.memory_space<hbm>>
      %dma_start3A_39 = tpu.memref_slice %arg3[%add3A_33] : memref<602112xi32, #tpu.memory_space<hbm>> -> memref<6272xi32, #tpu.memory_space<hbm>>
      tpu.enqueue_dma source(%dma_start3A_39 : memref<6272xi32, #tpu.memory_space<hbm>>) target(%arg11 : memref<6272xi32, #tpu.memory_space<vmem>>) target_semaphore(%run_scoped3A : memref<!tpu.dma_semaphore, #tpu.memory_space<semaphore_mem>>)
      %dma_wait3A = tpu.memref_slice %arg3[%add3A_33] : memref<602112xi32, #tpu.memory_space<hbm>> -> memref<6272xi32, #tpu.memory_space<hbm>>
      %dma_wait3A_40 = tpu.memref_slice %arg3[%add3A_33] : memref<602112xi32, #tpu.memory_space<hbm>> -> memref<6272xi32, #tpu.memory_space<hbm>>
      tpu.wait_dma2 semaphore(%run_scoped3A : memref<!tpu.dma_semaphore, #tpu.memory_space<semaphore_mem>>) src(%dma_wait3A_40 : memref<6272xi32, #tpu.memory_space<hbm>>) dst(%arg11 : memref<6272xi32, #tpu.memory_space<vmem>>)
      tpu.yield
    }) : () -> ()
    %scan3A_34 = arith.constant 0 : i32
    %scan3A_35 = arith.constant 8 : i32
    %scan3A_36 = arith.addi %scan3A_34, %scan3A_35 : i32
    %scan3A_37 = arith.constant 1 : i32
    scf.for %scan3A_39 = %scan3A_34 to %scan3A_36 step %scan3A_37  : i32 {
      %mul3A_40 = arith.constant 1 : i32
      %mul3A_41 = arith.muli %scan3A_39, %mul3A_40 : i32
      %add3A_42 = arith.constant 0 : i32
      %add3A_43 = arith.addi %add3A_42, %mul3A_41 : i32
      %mul3A_44 = arith.constant 13312 : i32
      %mul3A_45 = arith.muli %add3A_43, %mul3A_44 : i32
      %mul3A_46 = arith.constant 832 : i32
      %mul3A_47 = arith.muli %arg1, %mul3A_46 : i32
      %add3A_48 = arith.constant 0 : i32
      %add3A_49 = arith.addi %mul3A_47, %add3A_48 : i32
      "tpu.region"() ({
        %run_scoped3A = tpu.sem_alloc : memref<!tpu.dma_semaphore, #tpu.memory_space<semaphore_mem>>
        %dma_start3A = arith.constant 0 : i32
        %dma_start3A_85 = tpu.memref_slice %arg17[%add3A_49, %dma_start3A] : memref<13320x128xbf16, #tpu.memory_space<vmem_shared>> -> memref<208x128xbf16, #tpu.memory_space<vmem_shared>>
        %dma_start3A_86 = arith.constant 0 : i32
        %dma_start3A_87 = tpu.memref_slice %arg17[%add3A_49, %dma_start3A_86] : memref<13320x128xbf16, #tpu.memory_space<vmem_shared>> -> memref<208x128xbf16, #tpu.memory_space<vmem_shared>>
        tpu.enqueue_dma source(%arg15 : memref<208x128xbf16, #tpu.memory_space<vmem>>) target(%dma_start3A_87 : memref<208x128xbf16, #tpu.memory_space<vmem_shared>>) target_semaphore(%run_scoped3A : memref<!tpu.dma_semaphore, #tpu.memory_space<semaphore_mem>>)
        %dma_wait3A = arith.constant 0 : i32
        %dma_wait3A_88 = tpu.memref_slice %arg17[%add3A_49, %dma_wait3A] : memref<13320x128xbf16, #tpu.memory_space<vmem_shared>> -> memref<208x128xbf16, #tpu.memory_space<vmem_shared>>
        %dma_wait3A_89 = arith.constant 0 : i32
        %dma_wait3A_90 = tpu.memref_slice %arg17[%add3A_49, %dma_wait3A_89] : memref<13320x128xbf16, #tpu.memory_space<vmem_shared>> -> memref<208x128xbf16, #tpu.memory_space<vmem_shared>>
        tpu.wait_dma2 semaphore(%run_scoped3A : memref<!tpu.dma_semaphore, #tpu.memory_space<semaphore_mem>>) src(%arg15 : memref<208x128xbf16, #tpu.memory_space<vmem>>) dst(%dma_wait3A_90 : memref<208x128xbf16, #tpu.memory_space<vmem_shared>>)
        tpu.yield
      }) : () -> ()
      %mul3A_50 = arith.constant 832 : i32
      %mul3A_51 = arith.muli %arg1, %mul3A_50 : i32
      %add3A_52 = arith.constant 208 : i32
      %add3A_53 = arith.addi %mul3A_51, %add3A_52 : i32
      "tpu.region"() ({
        %run_scoped3A = tpu.sem_alloc : memref<!tpu.dma_semaphore, #tpu.memory_space<semaphore_mem>>
        %dma_start3A = arith.constant 0 : i32
        %dma_start3A_85 = tpu.memref_slice %arg17[%add3A_53, %dma_start3A] : memref<13320x128xbf16, #tpu.memory_space<vmem_shared>> -> memref<208x128xbf16, #tpu.memory_space<vmem_shared>>
        %dma_start3A_86 = arith.constant 0 : i32
        %dma_start3A_87 = tpu.memref_slice %arg17[%add3A_53, %dma_start3A_86] : memref<13320x128xbf16, #tpu.memory_space<vmem_shared>> -> memref<208x128xbf16, #tpu.memory_space<vmem_shared>>
        tpu.enqueue_dma source(%arg15 : memref<208x128xbf16, #tpu.memory_space<vmem>>) target(%dma_start3A_87 : memref<208x128xbf16, #tpu.memory_space<vmem_shared>>) target_semaphore(%run_scoped3A : memref<!tpu.dma_semaphore, #tpu.memory_space<semaphore_mem>>)
        %dma_wait3A = arith.constant 0 : i32
        %dma_wait3A_88 = tpu.memref_slice %arg17[%add3A_53, %dma_wait3A] : memref<13320x128xbf16, #tpu.memory_space<vmem_shared>> -> memref<208x128xbf16, #tpu.memory_space<vmem_shared>>
        %dma_wait3A_89 = arith.constant 0 : i32
        %dma_wait3A_90 = tpu.memref_slice %arg17[%add3A_53, %dma_wait3A_89] : memref<13320x128xbf16, #tpu.memory_space<vmem_shared>> -> memref<208x128xbf16, #tpu.memory_space<vmem_shared>>
        tpu.wait_dma2 semaphore(%run_scoped3A : memref<!tpu.dma_semaphore, #tpu.memory_space<semaphore_mem>>) src(%arg15 : memref<208x128xbf16, #tpu.memory_space<vmem>>) dst(%dma_wait3A_90 : memref<208x128xbf16, #tpu.memory_space<vmem_shared>>)
        tpu.yield
      }) : () -> ()
      %mul3A_54 = arith.constant 832 : i32
      %mul3A_55 = arith.muli %arg1, %mul3A_54 : i32
      %add3A_56 = arith.constant 416 : i32
      %add3A_57 = arith.addi %mul3A_55, %add3A_56 : i32
      "tpu.region"() ({
        %run_scoped3A = tpu.sem_alloc : memref<!tpu.dma_semaphore, #tpu.memory_space<semaphore_mem>>
        %dma_start3A = arith.constant 0 : i32
        %dma_start3A_85 = tpu.memref_slice %arg17[%add3A_57, %dma_start3A] : memref<13320x128xbf16, #tpu.memory_space<vmem_shared>> -> memref<208x128xbf16, #tpu.memory_space<vmem_shared>>
        %dma_start3A_86 = arith.constant 0 : i32
        %dma_start3A_87 = tpu.memref_slice %arg17[%add3A_57, %dma_start3A_86] : memref<13320x128xbf16, #tpu.memory_space<vmem_shared>> -> memref<208x128xbf16, #tpu.memory_space<vmem_shared>>
        tpu.enqueue_dma source(%arg15 : memref<208x128xbf16, #tpu.memory_space<vmem>>) target(%dma_start3A_87 : memref<208x128xbf16, #tpu.memory_space<vmem_shared>>) target_semaphore(%run_scoped3A : memref<!tpu.dma_semaphore, #tpu.memory_space<semaphore_mem>>)
        %dma_wait3A = arith.constant 0 : i32
        %dma_wait3A_88 = tpu.memref_slice %arg17[%add3A_57, %dma_wait3A] : memref<13320x128xbf16, #tpu.memory_space<vmem_shared>> -> memref<208x128xbf16, #tpu.memory_space<vmem_shared>>
        %dma_wait3A_89 = arith.constant 0 : i32
        %dma_wait3A_90 = tpu.memref_slice %arg17[%add3A_57, %dma_wait3A_89] : memref<13320x128xbf16, #tpu.memory_space<vmem_shared>> -> memref<208x128xbf16, #tpu.memory_space<vmem_shared>>
        tpu.wait_dma2 semaphore(%run_scoped3A : memref<!tpu.dma_semaphore, #tpu.memory_space<semaphore_mem>>) src(%arg15 : memref<208x128xbf16, #tpu.memory_space<vmem>>) dst(%dma_wait3A_90 : memref<208x128xbf16, #tpu.memory_space<vmem_shared>>)
        tpu.yield
      }) : () -> ()
      %mul3A_58 = arith.constant 832 : i32
      %mul3A_59 = arith.muli %arg1, %mul3A_58 : i32
      %add3A_60 = arith.constant 624 : i32
      %add3A_61 = arith.addi %mul3A_59, %add3A_60 : i32
      "tpu.region"() ({
        %run_scoped3A = tpu.sem_alloc : memref<!tpu.dma_semaphore, #tpu.memory_space<semaphore_mem>>
        %dma_start3A = arith.constant 0 : i32
        %dma_start3A_85 = tpu.memref_slice %arg17[%add3A_61, %dma_start3A] : memref<13320x128xbf16, #tpu.memory_space<vmem_shared>> -> memref<208x128xbf16, #tpu.memory_space<vmem_shared>>
        %dma_start3A_86 = arith.constant 0 : i32
        %dma_start3A_87 = tpu.memref_slice %arg17[%add3A_61, %dma_start3A_86] : memref<13320x128xbf16, #tpu.memory_space<vmem_shared>> -> memref<208x128xbf16, #tpu.memory_space<vmem_shared>>
        tpu.enqueue_dma source(%arg15 : memref<208x128xbf16, #tpu.memory_space<vmem>>) target(%dma_start3A_87 : memref<208x128xbf16, #tpu.memory_space<vmem_shared>>) target_semaphore(%run_scoped3A : memref<!tpu.dma_semaphore, #tpu.memory_space<semaphore_mem>>)
        %dma_wait3A = arith.constant 0 : i32
        %dma_wait3A_88 = tpu.memref_slice %arg17[%add3A_61, %dma_wait3A] : memref<13320x128xbf16, #tpu.memory_space<vmem_shared>> -> memref<208x128xbf16, #tpu.memory_space<vmem_shared>>
        %dma_wait3A_89 = arith.constant 0 : i32
        %dma_wait3A_90 = tpu.memref_slice %arg17[%add3A_61, %dma_wait3A_89] : memref<13320x128xbf16, #tpu.memory_space<vmem_shared>> -> memref<208x128xbf16, #tpu.memory_space<vmem_shared>>
        tpu.wait_dma2 semaphore(%run_scoped3A : memref<!tpu.dma_semaphore, #tpu.memory_space<semaphore_mem>>) src(%arg15 : memref<208x128xbf16, #tpu.memory_space<vmem>>) dst(%dma_wait3A_90 : memref<208x128xbf16, #tpu.memory_space<vmem_shared>>)
        tpu.yield
      }) : () -> ()
      %mul3A_62 = arith.constant 832 : i32
      %mul3A_63 = arith.muli %arg1, %mul3A_62 : i32
      "tpu.region"() ({
        %run_scoped3A = tpu.sem_alloc : memref<!tpu.dma_semaphore, #tpu.memory_space<semaphore_mem>>
        %dma_start3A = arith.constant 0 : i32
        %dma_start3A_85 = tpu.memref_slice %arg18[%mul3A_63, %dma_start3A] : memref<13320x8xf32, #tpu.memory_space<vmem_shared>> -> memref<832x8xf32, #tpu.memory_space<vmem_shared>>
        %dma_start3A_86 = arith.constant 0 : i32
        %dma_start3A_87 = tpu.memref_slice %arg18[%mul3A_63, %dma_start3A_86] : memref<13320x8xf32, #tpu.memory_space<vmem_shared>> -> memref<832x8xf32, #tpu.memory_space<vmem_shared>>
        tpu.enqueue_dma source(%arg16 : memref<832x8xf32, #tpu.memory_space<vmem>>) target(%dma_start3A_87 : memref<832x8xf32, #tpu.memory_space<vmem_shared>>) target_semaphore(%run_scoped3A : memref<!tpu.dma_semaphore, #tpu.memory_space<semaphore_mem>>)
        %dma_wait3A = arith.constant 0 : i32
        %dma_wait3A_88 = tpu.memref_slice %arg18[%mul3A_63, %dma_wait3A] : memref<13320x8xf32, #tpu.memory_space<vmem_shared>> -> memref<832x8xf32, #tpu.memory_space<vmem_shared>>
        %dma_wait3A_89 = arith.constant 0 : i32
        %dma_wait3A_90 = tpu.memref_slice %arg18[%mul3A_63, %dma_wait3A_89] : memref<13320x8xf32, #tpu.memory_space<vmem_shared>> -> memref<832x8xf32, #tpu.memory_space<vmem_shared>>
        tpu.wait_dma2 semaphore(%run_scoped3A : memref<!tpu.dma_semaphore, #tpu.memory_space<semaphore_mem>>) src(%arg16 : memref<832x8xf32, #tpu.memory_space<vmem>>) dst(%dma_wait3A_90 : memref<832x8xf32, #tpu.memory_space<vmem_shared>>)
        tpu.yield
      }) : () -> ()
      %barrier3A = arith.constant 0 : index
      tpu.barrier barrier_id(%barrier3A)
      %scan3A_64 = arith.constant 0 : i32
      %scan3A_65 = arith.constant 49 : i32
      %scan3A_66 = arith.addi %scan3A_64, %scan3A_65 : i32
      %scan3A_67 = arith.constant 1 : i32
      scf.for %scan3A_85 = %scan3A_64 to %scan3A_66 step %scan3A_67  : i32 {
        %mul3A_86 = arith.constant 1 : i32
        %mul3A_87 = arith.muli %scan3A_85, %mul3A_86 : i32
        %add3A_88 = arith.constant 0 : i32
        %add3A_89 = arith.addi %add3A_88, %mul3A_87 : i32
        %mul3A_90 = arith.constant 128 : i32
        %mul3A_91 = arith.muli %add3A_89, %mul3A_90 : i32
        %add3A_92 = arith.constant 0 : i32
        %add3A_93 = arith.addi %mul3A_91, %add3A_92 : i32
        %get3A = arith.index_cast %add3A_93 : i32 to index
        %get3A_94 = tpu.vector_load %arg11[%get3A] {strides = array<i32>} : memref<6272xi32, #tpu.memory_space<vmem>>, vector<16xi32>,
        %get3A_95 = vector.shape_cast %get3A_94 : vector<16xi32> to vector<16xi32>
        %sub3A = vector.broadcast %mul3A_45 : i32 to vector<16xi32>
        %sub3A_96 = arith.subi %get3A_95, %sub3A : vector<16xi32>
        %ge3A = arith.constant 0 : i32
        %ge3A_97 = vector.broadcast %ge3A : i32 to vector<16xi32>
        %ge3A_98 = arith.cmpi sge, %sub3A_96, %ge3A_97 : vector<16xi32>
        %lt3A = arith.constant 13312 : i32
        %lt3A_99 = vector.broadcast %lt3A : i32 to vector<16xi32>
        %lt3A_100 = arith.cmpi slt, %sub3A_96, %lt3A_99 : vector<16xi32>
        %and3A = arith.andi %ge3A_98, %lt3A_100 : vector<16xi1>
        %jit3A = arith.constant 13312 : i32
        %broadcast_in_dim3A = vector.broadcast %jit3A : i32 to vector<16xi32>
        %select_n3A = arith.select %and3A, %sub3A_96, %broadcast_in_dim3A : vector<16xi1>, vector<16xi32>
        %swap3A = arith.constant 0 : index
        %swap3A_101 = tpu.vector_load %arg12[%swap3A] {strides = array<i32>} : memref<128xi32, #tpu.memory_space<vmem>>, vector<16xi32>,
        %swap3A_102 = vector.shape_cast %swap3A_101 : vector<16xi32> to vector<16xi32>
        %swap3A_103 = vector.shape_cast %select_n3A : vector<16xi32> to vector<16xi32>
        tpu.vector_store %arg12[%swap3A], %swap3A_103 {strides = array<i32>} : memref<128xi32, #tpu.memory_space<vmem>>, vector<16xi32>,
        %add3A_104 = arith.constant 16 : i32
        %add3A_105 = arith.addi %mul3A_91, %add3A_104 : i32
        %get3A_106 = arith.index_cast %add3A_105 : i32 to index
        %get3A_107 = tpu.vector_load %arg11[%get3A_106] {strides = array<i32>} : memref<6272xi32, #tpu.memory_space<vmem>>, vector<16xi32>,
        %get3A_108 = vector.shape_cast %get3A_107 : vector<16xi32> to vector<16xi32>
        %sub3A_109 = vector.broadcast %mul3A_45 : i32 to vector<16xi32>
        %sub3A_110 = arith.subi %get3A_108, %sub3A_109 : vector<16xi32>
        %ge3A_111 = arith.constant 0 : i32
        %ge3A_112 = vector.broadcast %ge3A_111 : i32 to vector<16xi32>
        %ge3A_113 = arith.cmpi sge, %sub3A_110, %ge3A_112 : vector<16xi32>
        %lt3A_114 = arith.constant 13312 : i32
        %lt3A_115 = vector.broadcast %lt3A_114 : i32 to vector<16xi32>
        %lt3A_116 = arith.cmpi slt, %sub3A_110, %lt3A_115 : vector<16xi32>
        %and3A_117 = arith.andi %ge3A_113, %lt3A_116 : vector<16xi1>
        %jit3A_118 = arith.constant 13312 : i32
        %broadcast_in_dim3A_119 = vector.broadcast %jit3A_118 : i32 to vector<16xi32>
        %select_n3A_120 = arith.select %and3A_117, %sub3A_110, %broadcast_in_dim3A_119 : vector<16xi1>, vector<16xi32>
        %swap3A_121 = arith.constant 16 : index
        %swap3A_122 = tpu.vector_load %arg12[%swap3A_121] {strides = array<i32>} : memref<128xi32, #tpu.memory_space<vmem>>, vector<16xi32>,
        %swap3A_123 = vector.shape_cast %swap3A_122 : vector<16xi32> to vector<16xi32>
        %swap3A_124 = vector.shape_cast %select_n3A_120 : vector<16xi32> to vector<16xi32>
        tpu.vector_store %arg12[%swap3A_121], %swap3A_124 {strides = array<i32>} : memref<128xi32, #tpu.memory_space<vmem>>, vector<16xi32>,
        %add3A_125 = arith.constant 32 : i32
        %add3A_126 = arith.addi %mul3A_91, %add3A_125 : i32
        %get3A_127 = arith.index_cast %add3A_126 : i32 to index
        %get3A_128 = tpu.vector_load %arg11[%get3A_127] {strides = array<i32>} : memref<6272xi32, #tpu.memory_space<vmem>>, vector<16xi32>,
        %get3A_129 = vector.shape_cast %get3A_128 : vector<16xi32> to vector<16xi32>
        %sub3A_130 = vector.broadcast %mul3A_45 : i32 to vector<16xi32>
        %sub3A_131 = arith.subi %get3A_129, %sub3A_130 : vector<16xi32>
        %ge3A_132 = arith.constant 0 : i32
        %ge3A_133 = vector.broadcast %ge3A_132 : i32 to vector<16xi32>
        %ge3A_134 = arith.cmpi sge, %sub3A_131, %ge3A_133 : vector<16xi32>
        %lt3A_135 = arith.constant 13312 : i32
        %lt3A_136 = vector.broadcast %lt3A_135 : i32 to vector<16xi32>
        %lt3A_137 = arith.cmpi slt, %sub3A_131, %lt3A_136 : vector<16xi32>
        %and3A_138 = arith.andi %ge3A_134, %lt3A_137 : vector<16xi1>
        %jit3A_139 = arith.constant 13312 : i32
        %broadcast_in_dim3A_140 = vector.broadcast %jit3A_139 : i32 to vector<16xi32>
        %select_n3A_141 = arith.select %and3A_138, %sub3A_131, %broadcast_in_dim3A_140 : vector<16xi1>, vector<16xi32>
        %swap3A_142 = arith.constant 32 : index
        %swap3A_143 = tpu.vector_load %arg12[%swap3A_142] {strides = array<i32>} : memref<128xi32, #tpu.memory_space<vmem>>, vector<16xi32>,
        %swap3A_144 = vector.shape_cast %swap3A_143 : vector<16xi32> to vector<16xi32>
        %swap3A_145 = vector.shape_cast %select_n3A_141 : vector<16xi32> to vector<16xi32>
        tpu.vector_store %arg12[%swap3A_142], %swap3A_145 {strides = array<i32>} : memref<128xi32, #tpu.memory_space<vmem>>, vector<16xi32>,
        %add3A_146 = arith.constant 48 : i32
        %add3A_147 = arith.addi %mul3A_91, %add3A_146 : i32
        %get3A_148 = arith.index_cast %add3A_147 : i32 to index
        %get3A_149 = tpu.vector_load %arg11[%get3A_148] {strides = array<i32>} : memref<6272xi32, #tpu.memory_space<vmem>>, vector<16xi32>,
        %get3A_150 = vector.shape_cast %get3A_149 : vector<16xi32> to vector<16xi32>
        %sub3A_151 = vector.broadcast %mul3A_45 : i32 to vector<16xi32>
        %sub3A_152 = arith.subi %get3A_150, %sub3A_151 : vector<16xi32>
        %ge3A_153 = arith.constant 0 : i32
        %ge3A_154 = vector.broadcast %ge3A_153 : i32 to vector<16xi32>
        %ge3A_155 = arith.cmpi sge, %sub3A_152, %ge3A_154 : vector<16xi32>
        %lt3A_156 = arith.constant 13312 : i32
        %lt3A_157 = vector.broadcast %lt3A_156 : i32 to vector<16xi32>
        %lt3A_158 = arith.cmpi slt, %sub3A_152, %lt3A_157 : vector<16xi32>
        %and3A_159 = arith.andi %ge3A_155, %lt3A_158 : vector<16xi1>
        %jit3A_160 = arith.constant 13312 : i32
        %broadcast_in_dim3A_161 = vector.broadcast %jit3A_160 : i32 to vector<16xi32>
        %select_n3A_162 = arith.select %and3A_159, %sub3A_152, %broadcast_in_dim3A_161 : vector<16xi1>, vector<16xi32>
        %swap3A_163 = arith.constant 48 : index
        %swap3A_164 = tpu.vector_load %arg12[%swap3A_163] {strides = array<i32>} : memref<128xi32, #tpu.memory_space<vmem>>, vector<16xi32>,
        %swap3A_165 = vector.shape_cast %swap3A_164 : vector<16xi32> to vector<16xi32>
        %swap3A_166 = vector.shape_cast %select_n3A_162 : vector<16xi32> to vector<16xi32>
        tpu.vector_store %arg12[%swap3A_163], %swap3A_166 {strides = array<i32>} : memref<128xi32, #tpu.memory_space<vmem>>, vector<16xi32>,
        %add3A_167 = arith.constant 64 : i32
        %add3A_168 = arith.addi %mul3A_91, %add3A_167 : i32
        %get3A_169 = arith.index_cast %add3A_168 : i32 to index
        %get3A_170 = tpu.vector_load %arg11[%get3A_169] {strides = array<i32>} : memref<6272xi32, #tpu.memory_space<vmem>>, vector<16xi32>,
        %get3A_171 = vector.shape_cast %get3A_170 : vector<16xi32> to vector<16xi32>
        %sub3A_172 = vector.broadcast %mul3A_45 : i32 to vector<16xi32>
        %sub3A_173 = arith.subi %get3A_171, %sub3A_172 : vector<16xi32>
        %ge3A_174 = arith.constant 0 : i32
        %ge3A_175 = vector.broadcast %ge3A_174 : i32 to vector<16xi32>
        %ge3A_176 = arith.cmpi sge, %sub3A_173, %ge3A_175 : vector<16xi32>
        %lt3A_177 = arith.constant 13312 : i32
        %lt3A_178 = vector.broadcast %lt3A_177 : i32 to vector<16xi32>
        %lt3A_179 = arith.cmpi slt, %sub3A_173, %lt3A_178 : vector<16xi32>
        %and3A_180 = arith.andi %ge3A_176, %lt3A_179 : vector<16xi1>
        %jit3A_181 = arith.constant 13312 : i32
        %broadcast_in_dim3A_182 = vector.broadcast %jit3A_181 : i32 to vector<16xi32>
        %select_n3A_183 = arith.select %and3A_180, %sub3A_173, %broadcast_in_dim3A_182 : vector<16xi1>, vector<16xi32>
        %swap3A_184 = arith.constant 64 : index
        %swap3A_185 = tpu.vector_load %arg12[%swap3A_184] {strides = array<i32>} : memref<128xi32, #tpu.memory_space<vmem>>, vector<16xi32>,
        %swap3A_186 = vector.shape_cast %swap3A_185 : vector<16xi32> to vector<16xi32>
        %swap3A_187 = vector.shape_cast %select_n3A_183 : vector<16xi32> to vector<16xi32>
        tpu.vector_store %arg12[%swap3A_184], %swap3A_187 {strides = array<i32>} : memref<128xi32, #tpu.memory_space<vmem>>, vector<16xi32>,
        %add3A_188 = arith.constant 80 : i32
        %add3A_189 = arith.addi %mul3A_91, %add3A_188 : i32
        %get3A_190 = arith.index_cast %add3A_189 : i32 to index
        %get3A_191 = tpu.vector_load %arg11[%get3A_190] {strides = array<i32>} : memref<6272xi32, #tpu.memory_space<vmem>>, vector<16xi32>,
        %get3A_192 = vector.shape_cast %get3A_191 : vector<16xi32> to vector<16xi32>
        %sub3A_193 = vector.broadcast %mul3A_45 : i32 to vector<16xi32>
        %sub3A_194 = arith.subi %get3A_192, %sub3A_193 : vector<16xi32>
        %ge3A_195 = arith.constant 0 : i32
        %ge3A_196 = vector.broadcast %ge3A_195 : i32 to vector<16xi32>
        %ge3A_197 = arith.cmpi sge, %sub3A_194, %ge3A_196 : vector<16xi32>
        %lt3A_198 = arith.constant 13312 : i32
        %lt3A_199 = vector.broadcast %lt3A_198 : i32 to vector<16xi32>
        %lt3A_200 = arith.cmpi slt, %sub3A_194, %lt3A_199 : vector<16xi32>
        %and3A_201 = arith.andi %ge3A_197, %lt3A_200 : vector<16xi1>
        %jit3A_202 = arith.constant 13312 : i32
        %broadcast_in_dim3A_203 = vector.broadcast %jit3A_202 : i32 to vector<16xi32>
        %select_n3A_204 = arith.select %and3A_201, %sub3A_194, %broadcast_in_dim3A_203 : vector<16xi1>, vector<16xi32>
        %swap3A_205 = arith.constant 80 : index
        %swap3A_206 = tpu.vector_load %arg12[%swap3A_205] {strides = array<i32>} : memref<128xi32, #tpu.memory_space<vmem>>, vector<16xi32>,
        %swap3A_207 = vector.shape_cast %swap3A_206 : vector<16xi32> to vector<16xi32>
        %swap3A_208 = vector.shape_cast %select_n3A_204 : vector<16xi32> to vector<16xi32>
        tpu.vector_store %arg12[%swap3A_205], %swap3A_208 {strides = array<i32>} : memref<128xi32, #tpu.memory_space<vmem>>, vector<16xi32>,
        %add3A_209 = arith.constant 96 : i32
        %add3A_210 = arith.addi %mul3A_91, %add3A_209 : i32
        %get3A_211 = arith.index_cast %add3A_210 : i32 to index
        %get3A_212 = tpu.vector_load %arg11[%get3A_211] {strides = array<i32>} : memref<6272xi32, #tpu.memory_space<vmem>>, vector<16xi32>,
        %get3A_213 = vector.shape_cast %get3A_212 : vector<16xi32> to vector<16xi32>
        %sub3A_214 = vector.broadcast %mul3A_45 : i32 to vector<16xi32>
        %sub3A_215 = arith.subi %get3A_213, %sub3A_214 : vector<16xi32>
        %ge3A_216 = arith.constant 0 : i32
        %ge3A_217 = vector.broadcast %ge3A_216 : i32 to vector<16xi32>
        %ge3A_218 = arith.cmpi sge, %sub3A_215, %ge3A_217 : vector<16xi32>
        %lt3A_219 = arith.constant 13312 : i32
        %lt3A_220 = vector.broadcast %lt3A_219 : i32 to vector<16xi32>
        %lt3A_221 = arith.cmpi slt, %sub3A_215, %lt3A_220 : vector<16xi32>
        %and3A_222 = arith.andi %ge3A_218, %lt3A_221 : vector<16xi1>
        %jit3A_223 = arith.constant 13312 : i32
        %broadcast_in_dim3A_224 = vector.broadcast %jit3A_223 : i32 to vector<16xi32>
        %select_n3A_225 = arith.select %and3A_222, %sub3A_215, %broadcast_in_dim3A_224 : vector<16xi1>, vector<16xi32>
        %swap3A_226 = arith.constant 96 : index
        %swap3A_227 = tpu.vector_load %arg12[%swap3A_226] {strides = array<i32>} : memref<128xi32, #tpu.memory_space<vmem>>, vector<16xi32>,
        %swap3A_228 = vector.shape_cast %swap3A_227 : vector<16xi32> to vector<16xi32>
        %swap3A_229 = vector.shape_cast %select_n3A_225 : vector<16xi32> to vector<16xi32>
        tpu.vector_store %arg12[%swap3A_226], %swap3A_229 {strides = array<i32>} : memref<128xi32, #tpu.memory_space<vmem>>, vector<16xi32>,
        %add3A_230 = arith.constant 112 : i32
        %add3A_231 = arith.addi %mul3A_91, %add3A_230 : i32
        %get3A_232 = arith.index_cast %add3A_231 : i32 to index
        %get3A_233 = tpu.vector_load %arg11[%get3A_232] {strides = array<i32>} : memref<6272xi32, #tpu.memory_space<vmem>>, vector<16xi32>,
        %get3A_234 = vector.shape_cast %get3A_233 : vector<16xi32> to vector<16xi32>
        %sub3A_235 = vector.broadcast %mul3A_45 : i32 to vector<16xi32>
        %sub3A_236 = arith.subi %get3A_234, %sub3A_235 : vector<16xi32>
        %ge3A_237 = arith.constant 0 : i32
        %ge3A_238 = vector.broadcast %ge3A_237 : i32 to vector<16xi32>
        %ge3A_239 = arith.cmpi sge, %sub3A_236, %ge3A_238 : vector<16xi32>
        %lt3A_240 = arith.constant 13312 : i32
        %lt3A_241 = vector.broadcast %lt3A_240 : i32 to vector<16xi32>
        %lt3A_242 = arith.cmpi slt, %sub3A_236, %lt3A_241 : vector<16xi32>
        %and3A_243 = arith.andi %ge3A_239, %lt3A_242 : vector<16xi1>
        %jit3A_244 = arith.constant 13312 : i32
        %broadcast_in_dim3A_245 = vector.broadcast %jit3A_244 : i32 to vector<16xi32>
        %select_n3A_246 = arith.select %and3A_243, %sub3A_236, %broadcast_in_dim3A_245 : vector<16xi1>, vector<16xi32>
        %swap3A_247 = arith.constant 112 : index
        %swap3A_248 = tpu.vector_load %arg12[%swap3A_247] {strides = array<i32>} : memref<128xi32, #tpu.memory_space<vmem>>, vector<16xi32>,
        %swap3A_249 = vector.shape_cast %swap3A_248 : vector<16xi32> to vector<16xi32>
        %swap3A_250 = vector.shape_cast %select_n3A_246 : vector<16xi32> to vector<16xi32>
        tpu.vector_store %arg12[%swap3A_247], %swap3A_250 {strides = array<i32>} : memref<128xi32, #tpu.memory_space<vmem>>, vector<16xi32>,
        %dma_start3A = tpu.memref_slice %arg10[%mul3A_91] : memref<6272xi32, #tpu.memory_space<vmem>> -> memref<128xi32, #tpu.memory_space<vmem>>
        %dma_start3A_251 = arith.constant 0 : i32
        %dma_start3A_252 = arith.constant 0 : i32
        %dma_start3A_253 = tpu.memref_slice %arg4[%dma_start3A_251, %dma_start3A_252] : memref<100000x128xbf16, #tpu.memory_space<hbm>> -> memref<100000x128xbf16, #tpu.memory_space<hbm>>
        tpu.enqueue_indirect_dma source(%dma_start3A_253 : memref<100000x128xbf16, #tpu.memory_space<hbm>>) target(%arg13 : memref<128x128xbf16, #tpu.memory_space<vmem>>) offsets(%dma_start3A : memref<128xi32, #tpu.memory_space<vmem>>) semaphore(%arg19 : memref<!tpu.dma_semaphore, #tpu.memory_space<semaphore_mem>>)
        %dma_wait3A = tpu.memref_slice %arg10[%mul3A_91] : memref<6272xi32, #tpu.memory_space<vmem>> -> memref<128xi32, #tpu.memory_space<vmem>>
        %dma_wait3A_254 = arith.constant 0 : i32
        %dma_wait3A_255 = arith.constant 0 : i32
        %dma_wait3A_256 = tpu.memref_slice %arg4[%dma_wait3A_254, %dma_wait3A_255] : memref<100000x128xbf16, #tpu.memory_space<hbm>> -> memref<100000x128xbf16, #tpu.memory_space<hbm>>
        tpu.wait_indirect_dma semaphore(%arg19 : memref<!tpu.dma_semaphore, #tpu.memory_space<semaphore_mem>>) src(%dma_wait3A_256 : memref<100000x128xbf16, #tpu.memory_space<hbm>>) dst(%arg13 : memref<128x128xbf16, #tpu.memory_space<vmem>>)
        "tpu.region"() ({
          %run_scoped3A = tpu.sem_alloc : memref<!tpu.dma_semaphore, #tpu.memory_space<semaphore_mem>>
          %dma_start3A_257 = arith.constant 0 : i32
          %dma_start3A_258 = arith.constant 0 : i32
          %dma_start3A_259 = tpu.memref_slice %arg17[%dma_start3A_257, %dma_start3A_258] : memref<13320x128xbf16, #tpu.memory_space<vmem_shared>> -> memref<13320x128xbf16, #tpu.memory_space<vmem_shared>>
          tpu.enqueue_indirect_dma source(%arg13 : memref<128x128xbf16, #tpu.memory_space<vmem>>) target(%dma_start3A_259 : memref<13320x128xbf16, #tpu.memory_space<vmem_shared>>) offsets(%arg12 : memref<128xi32, #tpu.memory_space<vmem>>) semaphore(%run_scoped3A : memref<!tpu.dma_semaphore, #tpu.memory_space<semaphore_mem>>) {add = true}
          %dma_wait3A_260 = arith.constant 0 : i32
          %dma_wait3A_261 = arith.constant 0 : i32
          %dma_wait3A_262 = tpu.memref_slice %arg17[%dma_wait3A_260, %dma_wait3A_261] : memref<13320x128xbf16, #tpu.memory_space<vmem_shared>> -> memref<13320x128xbf16, #tpu.memory_space<vmem_shared>>
          tpu.wait_indirect_dma semaphore(%run_scoped3A : memref<!tpu.dma_semaphore, #tpu.memory_space<semaphore_mem>>) src(%arg13 : memref<128x128xbf16, #tpu.memory_space<vmem>>) dst(%dma_wait3A_262 : memref<13320x128xbf16, #tpu.memory_space<vmem_shared>>)
          tpu.yield
        }) : () -> ()
        "tpu.region"() ({
          %run_scoped3A = tpu.sem_alloc : memref<!tpu.dma_semaphore, #tpu.memory_space<semaphore_mem>>
          %dma_start3A_257 = arith.constant 0 : i32
          %dma_start3A_258 = arith.constant 0 : i32
          %dma_start3A_259 = tpu.memref_slice %arg18[%dma_start3A_257, %dma_start3A_258] : memref<13320x8xf32, #tpu.memory_space<vmem_shared>> -> memref<13320x8xf32, #tpu.memory_space<vmem_shared>>
          tpu.enqueue_indirect_dma source(%arg14 : memref<128x8xf32, #tpu.memory_space<vmem>>) target(%dma_start3A_259 : memref<13320x8xf32, #tpu.memory_space<vmem_shared>>) offsets(%arg12 : memref<128xi32, #tpu.memory_space<vmem>>) semaphore(%run_scoped3A : memref<!tpu.dma_semaphore, #tpu.memory_space<semaphore_mem>>) {add = true}
          %dma_wait3A_260 = arith.constant 0 : i32
          %dma_wait3A_261 = arith.constant 0 : i32
          %dma_wait3A_262 = tpu.memref_slice %arg18[%dma_wait3A_260, %dma_wait3A_261] : memref<13320x8xf32, #tpu.memory_space<vmem_shared>> -> memref<13320x8xf32, #tpu.memory_space<vmem_shared>>
          tpu.wait_indirect_dma semaphore(%run_scoped3A : memref<!tpu.dma_semaphore, #tpu.memory_space<semaphore_mem>>) src(%arg14 : memref<128x8xf32, #tpu.memory_space<vmem>>) dst(%dma_wait3A_262 : memref<13320x8xf32, #tpu.memory_space<vmem_shared>>)
          tpu.yield
        }) : () -> ()
      }
      %scan3A_68 = arith.constant 49 : i32
      %barrier3A_69 = arith.constant 0 : index
      tpu.barrier barrier_id(%barrier3A_69)
      %mul3A_70 = arith.constant 3 : i32
      %mul3A_71 = arith.muli %arg0, %mul3A_70 : i32
      %add3A_72 = arith.constant 2 : i32
      %add3A_73 = arith.addi %mul3A_71, %add3A_72 : i32
      %mul3A_74 = arith.constant 106496 : i32
      %mul3A_75 = arith.muli %add3A_73, %mul3A_74 : i32
      %add3A_76 = arith.addi %mul3A_75, %mul3A_45 : i32
      %mul3A_77 = arith.constant 832 : i32
      %mul3A_78 = arith.muli %arg1, %mul3A_77 : i32
      %add3A_79 = arith.addi %add3A_76, %mul3A_78 : i32
      %mul3A_80 = arith.constant 832 : i32
      %mul3A_81 = arith.muli %arg1, %mul3A_80 : i32
      "tpu.region"() ({
        %run_scoped3A = tpu.sem_alloc : memref<!tpu.dma_semaphore, #tpu.memory_space<semaphore_mem>>
        %dma_start3A = arith.constant 0 : i32
        %dma_start3A_85 = tpu.memref_slice %arg8[%add3A_79, %dma_start3A] : memref<638976x128xbf16, #tpu.memory_space<hbm>> -> memref<832x128xbf16, #tpu.memory_space<hbm>>
        %dma_start3A_86 = arith.constant 0 : i32
        %dma_start3A_87 = tpu.memref_slice %arg17[%mul3A_81, %dma_start3A_86] : memref<13320x128xbf16, #tpu.memory_space<vmem_shared>> -> memref<832x128xbf16, #tpu.memory_space<vmem_shared>>
        tpu.enqueue_dma source(%dma_start3A_87 : memref<832x128xbf16, #tpu.memory_space<vmem_shared>>) target(%dma_start3A_85 : memref<832x128xbf16, #tpu.memory_space<hbm>>) target_semaphore(%run_scoped3A : memref<!tpu.dma_semaphore, #tpu.memory_space<semaphore_mem>>)
        %dma_wait3A = arith.constant 0 : i32
        %dma_wait3A_88 = tpu.memref_slice %arg8[%add3A_79, %dma_wait3A] : memref<638976x128xbf16, #tpu.memory_space<hbm>> -> memref<832x128xbf16, #tpu.memory_space<hbm>>
        %dma_wait3A_89 = arith.constant 0 : i32
        %dma_wait3A_90 = tpu.memref_slice %arg17[%mul3A_81, %dma_wait3A_89] : memref<13320x128xbf16, #tpu.memory_space<vmem_shared>> -> memref<832x128xbf16, #tpu.memory_space<vmem_shared>>
        tpu.wait_dma2 semaphore(%run_scoped3A : memref<!tpu.dma_semaphore, #tpu.memory_space<semaphore_mem>>) src(%dma_wait3A_90 : memref<832x128xbf16, #tpu.memory_space<vmem_shared>>) dst(%dma_wait3A_88 : memref<832x128xbf16, #tpu.memory_space<hbm>>)
        tpu.yield
      }) : () -> ()
      %mul3A_82 = arith.constant 832 : i32
      %mul3A_83 = arith.muli %arg1, %mul3A_82 : i32
      "tpu.region"() ({
        %run_scoped3A = tpu.sem_alloc : memref<!tpu.dma_semaphore, #tpu.memory_space<semaphore_mem>>
        %dma_start3A = arith.constant 0 : i32
        %dma_start3A_85 = tpu.memref_slice %arg9[%add3A_79, %dma_start3A] : memref<638976x8xf32, #tpu.memory_space<hbm>> -> memref<832x8xf32, #tpu.memory_space<hbm>>
        %dma_start3A_86 = arith.constant 0 : i32
        %dma_start3A_87 = tpu.memref_slice %arg18[%mul3A_83, %dma_start3A_86] : memref<13320x8xf32, #tpu.memory_space<vmem_shared>> -> memref<832x8xf32, #tpu.memory_space<vmem_shared>>
        tpu.enqueue_dma source(%dma_start3A_87 : memref<832x8xf32, #tpu.memory_space<vmem_shared>>) target(%dma_start3A_85 : memref<832x8xf32, #tpu.memory_space<hbm>>) target_semaphore(%run_scoped3A : memref<!tpu.dma_semaphore, #tpu.memory_space<semaphore_mem>>)
        %dma_wait3A = arith.constant 0 : i32
        %dma_wait3A_88 = tpu.memref_slice %arg9[%add3A_79, %dma_wait3A] : memref<638976x8xf32, #tpu.memory_space<hbm>> -> memref<832x8xf32, #tpu.memory_space<hbm>>
        %dma_wait3A_89 = arith.constant 0 : i32
        %dma_wait3A_90 = tpu.memref_slice %arg18[%mul3A_83, %dma_wait3A_89] : memref<13320x8xf32, #tpu.memory_space<vmem_shared>> -> memref<832x8xf32, #tpu.memory_space<vmem_shared>>
        tpu.wait_dma2 semaphore(%run_scoped3A : memref<!tpu.dma_semaphore, #tpu.memory_space<semaphore_mem>>) src(%dma_wait3A_90 : memref<832x8xf32, #tpu.memory_space<vmem_shared>>) dst(%dma_wait3A_88 : memref<832x8xf32, #tpu.memory_space<hbm>>)
        tpu.yield
      }) : () -> ()
      %barrier3A_84 = arith.constant 0 : index
      tpu.barrier barrier_id(%barrier3A_84)
    }
    %scan3A_38 = arith.constant 8 : i32
    return
  }
}

module attributes {stable_mosaic.version = 14 : i64} {
  func.func @_tc_body(%arg0: i32, %arg1: memref<3x2xf32, #tpu.memory_space<smem>>, %arg2: memref<2x3x1000x128xbf16, #tpu.memory_space<vmem>>, %arg3: memref<2x3x1000x8xf32, #tpu.memory_space<vmem>>, %arg4: memref<1000x128xf32, #tpu.memory_space<vmem>>, %arg5: memref<2x128x128xf32, #tpu.memory_space<vmem>>, %arg6: memref<128x128xf32, #tpu.memory_space<vmem>>, %arg7: memref<1x128xf32, #tpu.memory_space<vmem>>, %arg8: memref<1000x128xf32, #tpu.memory_space<vmem>>) attributes {dimension_semantics = [#tpu.dimension_semantics<arbitrary>], iteration_bounds = array<i64: 100>, scalar_prefetch = 0 : i64, scratch_operands = 0 : i64, tpu.core_type = #tpu.core_type<tc>, window_params = [{transform_indices = @transform_0, window_bounds = array<i64: 3, 2>}, {transform_indices = @transform_1, window_bounds = array<i64: 2, 3, 1000, 128>}, {transform_indices = @transform_2, window_bounds = array<i64: 2, 3, 1000, 8>}, {transform_indices = @transform_3, window_bounds = array<i64: 1000, 128>}, {pipeline_mode = #tpu.pipeline_mode<synchronous>, transform_indices = @transform_4, window_bounds = array<i64: 2, 128, 128>}, {pipeline_mode = #tpu.pipeline_mode<synchronous>, transform_indices = @transform_5, window_bounds = array<i64: 128, 128>}, {pipeline_mode = #tpu.pipeline_mode<synchronous>, transform_indices = @transform_6, window_bounds = array<i64: 1, 128>}, {transform_indices = @transform_7, window_bounds = array<i64: 1000, 128>}]} {
    %get3A = arith.constant 0 : index
    %get3A_0 = arith.constant 0 : index
    %get3A_1 = arith.constant 0 : index
    %get3A_2 = arith.constant 0 : index
    %get3A_3 = vector.load %arg2[%get3A, %get3A_0, %get3A_1, %get3A_2] : memref<2x3x1000x128xbf16, #tpu.memory_space<vmem>>, vector<2x3x1000x128xbf16>
    %convert_element_type3A = arith.extf %get3A_3 : vector<2x3x1000x128xbf16> to vector<2x3x1000x128xf32>
    %slice3A = vector.extract_strided_slice %convert_element_type3A {offsets = [0, 0, 0, 0], sizes = [1, 3, 1000, 128], strides = [1, 1, 1, 1]} : vector<2x3x1000x128xf32> to vector<1x3x1000x128xf32>
    %squeeze3A = vector.shape_cast %slice3A : vector<1x3x1000x128xf32> to vector<3x1000x128xf32>
    %slice3A_4 = vector.extract_strided_slice %convert_element_type3A {offsets = [1, 0, 0, 0], sizes = [1, 3, 1000, 128], strides = [1, 1, 1, 1]} : vector<2x3x1000x128xf32> to vector<1x3x1000x128xf32>
    %squeeze3A_5 = vector.shape_cast %slice3A_4 : vector<1x3x1000x128xf32> to vector<3x1000x128xf32>
    %add3A = arith.addf %squeeze3A, %squeeze3A_5 : vector<3x1000x128xf32>
    %get3A_6 = arith.constant 0 : index
    %get3A_7 = arith.constant 0 : index
    %get3A_8 = arith.constant 0 : index
    %get3A_9 = arith.constant 0 : index
    %get3A_10 = vector.load %arg3[%get3A_6, %get3A_7, %get3A_8, %get3A_9] : memref<2x3x1000x8xf32, #tpu.memory_space<vmem>>, vector<2x3x1000x8xf32>
    %slice3A_11 = vector.extract_strided_slice %get3A_10 {offsets = [0, 0, 0, 0], sizes = [1, 3, 1000, 1], strides = [1, 1, 1, 1]} : vector<2x3x1000x8xf32> to vector<1x3x1000x1xf32>
    %squeeze3A_12 = vector.shape_cast %slice3A_11 : vector<1x3x1000x1xf32> to vector<3x1000xf32>
    %slice3A_13 = vector.extract_strided_slice %get3A_10 {offsets = [1, 0, 0, 0], sizes = [1, 3, 1000, 1], strides = [1, 1, 1, 1]} : vector<2x3x1000x8xf32> to vector<1x3x1000x1xf32>
    %squeeze3A_14 = vector.shape_cast %slice3A_13 : vector<1x3x1000x1xf32> to vector<3x1000xf32>
    %add3A_15 = arith.addf %squeeze3A_12, %squeeze3A_14 : vector<3x1000xf32>
    %max3A = arith.constant 1.000000e+00 : f32
    %max3A_16 = vector.broadcast %max3A : f32 to vector<3x1000xf32>
    %max3A_17 = arith.maximumf %add3A_15, %max3A_16 : vector<3x1000xf32>
    %broadcast_in_dim3A = vector.shape_cast %max3A_17 : vector<3x1000xf32> to vector<3x1000x1xf32>
    %div3A = vector.broadcast %broadcast_in_dim3A : vector<3x1000x1xf32> to vector<3x1000x128xf32>
    %div3A_18 = arith.divf %add3A, %div3A : vector<3x1000x128xf32>
    %get3A_19 = arith.constant 0 : index
    %get3A_20 = arith.constant 0 : index
    %get3A_21 = memref.load %arg1[%get3A_19, %get3A_20] : memref<3x2xf32, #tpu.memory_space<smem>>
    %slice3A_22 = vector.extract_strided_slice %div3A_18 {offsets = [0, 0, 0], sizes = [1, 1000, 128], strides = [1, 1, 1]} : vector<3x1000x128xf32> to vector<1x1000x128xf32>
    %squeeze3A_23 = vector.shape_cast %slice3A_22 : vector<1x1000x128xf32> to vector<1000x128xf32>
    %mul3A = vector.broadcast %get3A_21 : f32 to vector<1000x128xf32>
    %mul3A_24 = arith.mulf %mul3A, %squeeze3A_23 : vector<1000x128xf32>
    %get3A_25 = arith.constant 1 : index
    %get3A_26 = arith.constant 0 : index
    %get3A_27 = memref.load %arg1[%get3A_25, %get3A_26] : memref<3x2xf32, #tpu.memory_space<smem>>
    %slice3A_28 = vector.extract_strided_slice %div3A_18 {offsets = [1, 0, 0], sizes = [1, 1000, 128], strides = [1, 1, 1]} : vector<3x1000x128xf32> to vector<1x1000x128xf32>
    %squeeze3A_29 = vector.shape_cast %slice3A_28 : vector<1x1000x128xf32> to vector<1000x128xf32>
    %mul3A_30 = vector.broadcast %get3A_27 : f32 to vector<1000x128xf32>
    %mul3A_31 = arith.mulf %mul3A_30, %squeeze3A_29 : vector<1000x128xf32>
    %add3A_32 = arith.addf %mul3A_24, %mul3A_31 : vector<1000x128xf32>
    %get3A_33 = arith.constant 2 : index
    %get3A_34 = arith.constant 0 : index
    %get3A_35 = memref.load %arg1[%get3A_33, %get3A_34] : memref<3x2xf32, #tpu.memory_space<smem>>
    %slice3A_36 = vector.extract_strided_slice %div3A_18 {offsets = [2, 0, 0], sizes = [1, 1000, 128], strides = [1, 1, 1]} : vector<3x1000x128xf32> to vector<1x1000x128xf32>
    %squeeze3A_37 = vector.shape_cast %slice3A_36 : vector<1x1000x128xf32> to vector<1000x128xf32>
    %mul3A_38 = vector.broadcast %get3A_35 : f32 to vector<1000x128xf32>
    %mul3A_39 = arith.mulf %mul3A_38, %squeeze3A_37 : vector<1000x128xf32>
    %add3A_40 = arith.addf %add3A_32, %mul3A_39 : vector<1000x128xf32>
    %get3A_41 = arith.constant 0 : index
    %get3A_42 = arith.constant 1 : index
    %get3A_43 = memref.load %arg1[%get3A_41, %get3A_42] : memref<3x2xf32, #tpu.memory_space<smem>>
    %slice3A_44 = vector.extract_strided_slice %div3A_18 {offsets = [0, 0, 0], sizes = [1, 1000, 128], strides = [1, 1, 1]} : vector<3x1000x128xf32> to vector<1x1000x128xf32>
    %squeeze3A_45 = vector.shape_cast %slice3A_44 : vector<1x1000x128xf32> to vector<1000x128xf32>
    %mul3A_46 = vector.broadcast %get3A_43 : f32 to vector<1000x128xf32>
    %mul3A_47 = arith.mulf %mul3A_46, %squeeze3A_45 : vector<1000x128xf32>
    %get3A_48 = arith.constant 1 : index
    %get3A_49 = arith.constant 1 : index
    %get3A_50 = memref.load %arg1[%get3A_48, %get3A_49] : memref<3x2xf32, #tpu.memory_space<smem>>
    %slice3A_51 = vector.extract_strided_slice %div3A_18 {offsets = [1, 0, 0], sizes = [1, 1000, 128], strides = [1, 1, 1]} : vector<3x1000x128xf32> to vector<1x1000x128xf32>
    %squeeze3A_52 = vector.shape_cast %slice3A_51 : vector<1x1000x128xf32> to vector<1000x128xf32>
    %mul3A_53 = vector.broadcast %get3A_50 : f32 to vector<1000x128xf32>
    %mul3A_54 = arith.mulf %mul3A_53, %squeeze3A_52 : vector<1000x128xf32>
    %add3A_55 = arith.addf %mul3A_47, %mul3A_54 : vector<1000x128xf32>
    %get3A_56 = arith.constant 2 : index
    %get3A_57 = arith.constant 1 : index
    %get3A_58 = memref.load %arg1[%get3A_56, %get3A_57] : memref<3x2xf32, #tpu.memory_space<smem>>
    %slice3A_59 = vector.extract_strided_slice %div3A_18 {offsets = [2, 0, 0], sizes = [1, 1000, 128], strides = [1, 1, 1]} : vector<3x1000x128xf32> to vector<1x1000x128xf32>
    %squeeze3A_60 = vector.shape_cast %slice3A_59 : vector<1x1000x128xf32> to vector<1000x128xf32>
    %mul3A_61 = vector.broadcast %get3A_58 : f32 to vector<1000x128xf32>
    %mul3A_62 = arith.mulf %mul3A_61, %squeeze3A_60 : vector<1000x128xf32>
    %add3A_63 = arith.addf %add3A_55, %mul3A_62 : vector<1000x128xf32>
    %get3A_64 = arith.constant 0 : index
    %get3A_65 = arith.constant 0 : index
    %get3A_66 = arith.constant 0 : index
    %get3A_67 = vector.load %arg5[%get3A_64, %get3A_65, %get3A_66] : memref<2x128x128xf32, #tpu.memory_space<vmem>>, vector<2x128x128xf32>
    %slice3A_68 = vector.extract_strided_slice %get3A_67 {offsets = [0, 0, 0], sizes = [1, 128, 128], strides = [1, 1, 1]} : vector<2x128x128xf32> to vector<1x128x128xf32>
    %squeeze3A_69 = vector.shape_cast %slice3A_68 : vector<1x128x128xf32> to vector<128x128xf32>
    %dot_general3A = arith.constant dense<0.000000e+00> : vector<1000x128xf32>
    %dot_general3A_70 = tpu.matmul %add3A_40, %squeeze3A_69, %dot_general3A {dimension_numbers = #tpu.dot_dimension_numbers<[1], [0], [0], [1], [0, 0, 1, 1], [], []>, transpose_lhs_hint = false} : vector<1000x128xf32>, vector<128x128xf32>, vector<1000x128xf32> -> vector<1000x128xf32>
    %slice3A_71 = vector.extract_strided_slice %get3A_67 {offsets = [1, 0, 0], sizes = [1, 128, 128], strides = [1, 1, 1]} : vector<2x128x128xf32> to vector<1x128x128xf32>
    %squeeze3A_72 = vector.shape_cast %slice3A_71 : vector<1x128x128xf32> to vector<128x128xf32>
    %dot_general3A_73 = arith.constant dense<0.000000e+00> : vector<1000x128xf32>
    %dot_general3A_74 = tpu.matmul %add3A_63, %squeeze3A_72, %dot_general3A_73 {dimension_numbers = #tpu.dot_dimension_numbers<[1], [0], [0], [1], [0, 0, 1, 1], [], []>, transpose_lhs_hint = false} : vector<1000x128xf32>, vector<128x128xf32>, vector<1000x128xf32> -> vector<1000x128xf32>
    %add3A_75 = arith.addf %dot_general3A_70, %dot_general3A_74 : vector<1000x128xf32>
    %get3A_76 = arith.constant 0 : index
    %get3A_77 = arith.constant 0 : index
    %get3A_78 = vector.load %arg4[%get3A_76, %get3A_77] : memref<1000x128xf32, #tpu.memory_space<vmem>>, vector<1000x128xf32>
    %get3A_79 = arith.constant 0 : index
    %get3A_80 = arith.constant 0 : index
    %get3A_81 = vector.load %arg6[%get3A_79, %get3A_80] : memref<128x128xf32, #tpu.memory_space<vmem>>, vector<128x128xf32>
    %dot_general3A_82 = arith.constant dense<0.000000e+00> : vector<1000x128xf32>
    %dot_general3A_83 = tpu.matmul %get3A_78, %get3A_81, %dot_general3A_82 {dimension_numbers = #tpu.dot_dimension_numbers<[1], [0], [0], [1], [0, 0, 1, 1], [], []>, transpose_lhs_hint = false} : vector<1000x128xf32>, vector<128x128xf32>, vector<1000x128xf32> -> vector<1000x128xf32>
    %add3A_84 = arith.addf %add3A_75, %dot_general3A_83 : vector<1000x128xf32>
    %get3A_85 = arith.constant 0 : index
    %get3A_86 = arith.constant 0 : index
    %get3A_87 = vector.load %arg7[%get3A_85, %get3A_86] : memref<1x128xf32, #tpu.memory_space<vmem>>, vector<1x128xf32>
    %add3A_88 = vector.broadcast %get3A_87 : vector<1x128xf32> to vector<1000x128xf32>
    %add3A_89 = arith.addf %add3A_84, %add3A_88 : vector<1000x128xf32>
    %swap3A = arith.constant 0 : index
    %swap3A_90 = arith.constant 0 : index
    %swap3A_91 = vector.load %arg8[%swap3A, %swap3A_90] : memref<1000x128xf32, #tpu.memory_space<vmem>>, vector<1000x128xf32>
    tpu.vector_store %arg8[%swap3A, %swap3A_90], %add3A_89 {strides = array<i32>} : memref<1000x128xf32, #tpu.memory_space<vmem>>, vector<1000x128xf32>,
    return
  }
  func.func @transform_0(%arg0: i32) -> (i32, i32) {
    %c0_i32 = arith.constant 0 : i32
    %c0_i32_0 = arith.constant 0 : i32
    %c0_i32_1 = arith.constant 0 : i32
    return %c0_i32, %c0_i32_0 : i32, i32
  }
  func.func @transform_1(%arg0: i32) -> (i32, i32, i32, i32) {
    %c0_i32 = arith.constant 0 : i32
    %c0_i32_0 = arith.constant 0 : i32
    %c0_i32_1 = arith.constant 0 : i32
    %c0_i32_2 = arith.constant 0 : i32
    return %c0_i32, %c0_i32_0, %arg0, %c0_i32_1 : i32, i32, i32, i32
  }
  func.func @transform_2(%arg0: i32) -> (i32, i32, i32, i32) {
    %c0_i32 = arith.constant 0 : i32
    %c0_i32_0 = arith.constant 0 : i32
    %c0_i32_1 = arith.constant 0 : i32
    %c0_i32_2 = arith.constant 0 : i32
    return %c0_i32, %c0_i32_0, %arg0, %c0_i32_1 : i32, i32, i32, i32
  }
  func.func @transform_3(%arg0: i32) -> (i32, i32) {
    %c0_i32 = arith.constant 0 : i32
    %c0_i32_0 = arith.constant 0 : i32
    return %arg0, %c0_i32 : i32, i32
  }
  func.func @transform_4(%arg0: i32) -> (i32, i32, i32) {
    %c0_i32 = arith.constant 0 : i32
    %c0_i32_0 = arith.constant 0 : i32
    %c0_i32_1 = arith.constant 0 : i32
    %c0_i32_2 = arith.constant 0 : i32
    return %c0_i32, %c0_i32_0, %c0_i32_1 : i32, i32, i32
  }
  func.func @transform_5(%arg0: i32) -> (i32, i32) {
    %c0_i32 = arith.constant 0 : i32
    %c0_i32_0 = arith.constant 0 : i32
    %c0_i32_1 = arith.constant 0 : i32
    return %c0_i32, %c0_i32_0 : i32, i32
  }
  func.func @transform_6(%arg0: i32) -> (i32, i32) {
    %c0_i32 = arith.constant 0 : i32
    %c0_i32_0 = arith.constant 0 : i32
    %c0_i32_1 = arith.constant 0 : i32
    return %c0_i32, %c0_i32_0 : i32, i32
  }
  func.func @transform_7(%arg0: i32) -> (i32, i32) {
    %c0_i32 = arith.constant 0 : i32
    %c0_i32_0 = arith.constant 0 : i32
    return %arg0, %c0_i32 : i32, i32
  }
}

</mosaic_0001>

<sc_bundles>
// kernel: kernel.4.cloned.1.call-start
scs
__scs_entry_jumppad:
0x0: {  	(pc) =	sbr.rel $0x88, $3  }
0x1: {  	(tag) =	ssettag $0x0;
	lr =	simm.s32 $0x1  }
0x2: {  	[smem:$0x3F99] =	sst lr;
	_ =	strace $0xD0000000  }
0x3: {  	_ = 	snop  }
0x4: {  	_ = 	snop  }
0x5: {  	_ = 	snop  }
0x6: {  	_ = 	snop  }
0x7: {  	_ = 	snop  }
__scs_overlays_trampoline_lowered:
0x8: {  	[smem:$0x3FA8] =	sst s0  }
0x9: {  	[smem:$0x3FA9] =	sst s1  }
0xa: {  	[smem:$0x3FAA] =	sst s2  }
0xb: {  	[smem:$0x3FAB] =	sst s3  }
0xc: {  	[smem:$0x3FAC] =	sst s4  }
0xd: {  	[smem:$0x3FAD] =	sst s5  }
0xe: {  	[smem:$0x3FAE] =	sst s6  }
0xf: {  	[smem:$0x3FAF] =	sst s7  }
0x10: {  	[smem:$0x3FB0] =	sst s8  }
0x11: {  	[smem:$0x3FB1] =	sst s9;
	s0 =	simm.s32 @!p0 $0x0  }
0x12: {  	s1 =	sld [smem:$0x3F97];
	s0 =	simm.s32 @p0 $0x1  }
0x13: {  	[smem:$0x3FB2] =	sst s0;
	s0 =	simm.s32 @!p1 $0x0  }
0x14: {  	s2 =	sld [smem:$0x3F96];
	s0 =	simm.s32 @p1 $0x1  }
0x15: {  	[smem:$0x3FB3] =	sst s0;
	s0 =	simm.s32 @!p2 $0x0  }
0x16: {  	s3 =	sld [smem:$0x3FDB];
	s0 =	simm.s32 @p2 $0x1  }
0x17: {  	s4 =	simm.s32 $0x1BF5;
	[smem:$0x3FB5] =	sst s0  }
0x18: {  	s0 =	sld [smem:$0x3F98];
	_ =	swait.ge [sflag:s4], $0x0  }
0x19: {  	s7 =	sld [smem:$0x3F99]  }
0x1a: {  	s8 =	sadd.s32 $0xFFFFE003, lr  }
0x1b: {  	s9 =	sadd.s32 $0xFFFFFEF7, lr;
	s5 =	simm.s32 $0xFFFFFFFF;
	p2 =	slt.u32 s8, $0xFFFFF086  }
0x1c: {  	p1 =	slt.u32 s9, $0xF7A;
	s5 =	simm.s32 @!p2 $0x0  }
0x1d: {  	s5 =	simm.s32 @p1 $0x1;
	p0 =	seq.s32 s7, s2  }
0x1e: {  	s7 =	smul.u32 @!p0 $0xF7A, s2;
	p2 =	seq.s32 @!p0 s5, $0x0  }
0x1f: {  	s9 =	smul.u32 $0xF7A, s1;
	s8 =	simm.s32 @!p0 $0x1BF5;
	p2 =	por !p2, p0  }
0x20: {  	[sflag:s8] =	ssyncset.s32 @!p0 $0xFFFFF086;
	s6 =	sadd.s32 @!p0 s3, s7;
	s7 =	simm.s32 @!p0 $0x108  }
0x21: {  	s3 =	sadd.s32 s3, s9;
	s6 =	sadd.s32 @!p0 $0x88, s6;
	s7 =	simm.s32 @p2 $0x1082  }
0x22: {  	[simem:s7], [sflag:s8] =	dma.local @!p0 [hbm:s6], $0xF7A  }
0x23: {  	s9 =	sor.u32 $0xD0000000, s2;
	s6 =	simm.s32 $0x108;
	_ =	swait.ge @!p0 [sflag:s8], $0x0  }
0x24: {  	s3 =	sadd.s32 $0x88, s3;
	s6 =	simm.s32 @!p1 $0x1082;
	[sflag:s4] =	ssyncset.s32 $0xFFFFF086  }
0x25: {  	[simem:s6], [sflag:s4] =	dma.local [hbm:s3], $0xF7A  }
0x26: {  	[smem:$0x3F99] =	sst s1;
	(tag) =	ssettag s2;
	_ =	strace s9  }
0x27: {  	s1 =	sld [smem:$0x3FA9]  }
0x28: {  	s2 =	sld [smem:$0x3FAA]  }
0x29: {  	s4 =	sld [smem:$0x3FAC]  }
0x2a: {  	p0 =	seq.s32 s5, $0x0;
	s5 =	sld [smem:$0x3FAD]  }
0x2b: {  	s6 =	sld [smem:$0x3FAE]  }
0x2c: {  	s7 =	sld [smem:$0x3FAF]  }
0x2d: {  	s3 =	simm.s32 $0x108;
	s8 =	sld [smem:$0x3FB0]  }
0x2e: {  	s3 =	simm.s32 @!p0 $0x1082;
	s9 =	sld [smem:$0x3FB1]  }
0x2f: {  	lr =	sadd.s32 s0, s3;
	s0 =	sld [smem:$0x3FA8]  }
0x30: {  	s3 =	sld [smem:$0x3FAB]  }
0x31: {  	[smem:$0x3FB4] =	sst s10  }
0x32: {  	s10 =	sld [smem:$0x3FB2];
	_ =	sdelay $0x3  }
0x33: {  	p0 =	seq.s32 s10, $0x1;
	s10 =	sld [smem:$0x3FB4];
	_ =	sdelay $0x3  }
0x34: {  	[smem:$0x3FB4] =	sst s10  }
0x35: {  	s10 =	sld [smem:$0x3FB3];
	_ =	sdelay $0x3  }
0x36: {  	p1 =	seq.s32 s10, $0x1;
	s10 =	sld [smem:$0x3FB4];
	_ =	sdelay $0x3  }
0x37: {  	[smem:$0x3FB4] =	sst s10  }
0x38: {  	s10 =	sld [smem:$0x3FB5]  }
0x39: {  	_ = 	snop;
	(pc) =	sbr.ind lr, $3  }
0x3a: {  	_ = 	snop  }
0x3b: {  	_ = 	snop  }
0x3c: {  	p2 =	seq.s32 s10, $0x1;
	s10 =	sld [smem:$0x3FB4]  }
0x3d: {  	_ =	shalt  }
0x3e: {  	_ =	shalt  }
0x3f: {  	_ =	shalt  }
0x40: {  	_ =	shalt  }
0x41: {  	_ =	shalt  }
0x42: {  	_ =	shalt  }
0x43: {  	_ =	shalt  }
0x44: {  	_ =	shalt  }
0x45: {  	_ =	shalt  }
0x46: {  	_ =	shalt  }
0x47: {  	_ =	shalt  }
0x48: {  	_ =	shalt  }
0x49: {  	_ =	shalt  }
0x4a: {  	_ =	shalt  }
0x4b: {  	_ =	shalt  }
0x4c: {  	_ =	shalt  }
0x4d: {  	_ =	shalt  }
0x4e: {  	_ =	shalt  }
0x4f: {  	_ =	shalt  }
0x50: {  	_ =	shalt  }
0x51: {  	_ =	shalt  }
0x52: {  	_ =	shalt  }
0x53: {  	_ =	shalt  }
0x54: {  	_ =	shalt  }
0x55: {  	_ =	shalt  }
0x56: {  	_ =	shalt  }
0x57: {  	_ =	shalt  }
0x58: {  	_ =	shalt  }
0x59: {  	_ =	shalt  }
0x5a: {  	_ =	shalt  }
0x5b: {  	_ =	shalt  }
0x5c: {  	_ =	shalt  }
0x5d: {  	_ =	shalt  }
0x5e: {  	_ =	shalt  }
0x5f: {  	_ =	shalt  }
0x60: {  	_ =	shalt  }
0x61: {  	_ =	shalt  }
0x62: {  	_ =	shalt  }
0x63: {  	_ =	shalt  }
0x64: {  	_ =	shalt  }
0x65: {  	_ =	shalt  }
0x66: {  	_ =	shalt  }
0x67: {  	_ =	shalt  }
0x68: {  	_ =	shalt  }
0x69: {  	_ =	shalt  }
0x6a: {  	_ =	shalt  }
0x6b: {  	_ =	shalt  }
0x6c: {  	_ =	shalt  }
0x6d: {  	_ =	shalt  }
0x6e: {  	_ =	shalt  }
0x6f: {  	_ =	shalt  }
0x70: {  	_ =	shalt  }
0x71: {  	_ =	shalt  }
0x72: {  	_ =	shalt  }
0x73: {  	_ =	shalt  }
0x74: {  	_ =	shalt  }
0x75: {  	_ =	shalt  }
0x76: {  	_ =	shalt  }
0x77: {  	_ =	shalt  }
0x78: {  	_ =	shalt  }
0x79: {  	_ =	shalt  }
0x7a: {  	_ =	shalt  }
0x7b: {  	_ =	shalt  }
0x7c: {  	_ =	shalt  }
0x7d: {  	_ =	shalt  }
0x7e: {  	_ =	shalt  }
0x7f: {  	_ =	shalt  }
0x80: {  	_ =	shalt  }
0x81: {  	_ =	shalt  }
0x82: {  	_ =	shalt  }
0x83: {  	_ =	shalt  }
0x84: {  	_ =	shalt  }
0x85: {  	_ =	shalt  }
0x86: {  	_ =	shalt  }
0x87: {  	_ =	shalt  }
.Lfunc_end0:
.L_simem_size_0:
called_computation_lowered:
.L_overlay_start_0:
0x88: {  	s2 =	sld [smem:$0x3FD9]  }
0x89: {  	s3 =	sld [smem:$0x3FFE];
	_ =	sdelay $0x1  }
0x8a: {  	s1 =	srdreg.scid  }
0x8b: {  	s0 =	sand.u32 $0x1, s1  }
0x8c: {  	s17 =	sshll.u32 s0, $0xA;
	s2 =	sadd.s32 s3, s2  }
0x8d: {  	s2 =	sadd.s32 s2, s17  }
0x8e: {  	[smem:$0x3FC0] =	sst s2  }
0x8f: {  	_ = 	snop  }
0x90: {  	s2 =	sld [smem:$0x3FD0];
	(tm) =	ssettm $0x1  }
0x91: {  	s18 =	sld [smem:$0x3FFB];
	_ =	sdelay $0x3  }
0x92: {  	_ =	strace s18  }
0x93: {  	s3 =	sld [smem:$0x3FFC];
	_ =	sdelay $0x3  }
0x94: {  	_ =	strace s3  }
0x95: {  	s3 =	sld [smem:$0x3FFD];
	_ =	sdelay $0x3  }
0x96: {  	_ =	strace s3  }
0x97: {  	_ =	strace $0x8FFFFFFF  }
0x98: {  	s19 =	sld [smem:$0x3FDB];
	_ =	sdelay $0x1  }
0x99: {  	s4 =	simm.s32 $_scs_section_size  }
0x9a: {  	s5 =	simm.s32 $_size__tile_overlayer_lowered;
	s6 =	simm.s32 $_tile_overlayer_lowered  }
0x9b: {  	s22 =	simm.s32 $0x1BFF;
	s21 =	sshll.u32 s6, $0x1;
	s3 =	sadd.s32 s4, s19  }
0x9c: {  	s7 =	simm.s32 $0x0;
	s20 =	sshll.u32 s5, $0x1;
	s5 =	sadd.s32 s21, s3  }
0x9d: {  	[timem:s7], [sflag:s22] =	dma.local [hbm:s5], s20  }
0x9e: {  	_ =	swait.ge [sflag:s22], s20  }
0x9f: {  	s4 =	ssub.s32 $0x0, s20;
	[sflag:s22] =	ssyncset.done $0x0  }
0xa0: {  	[sflag:s22] =	ssyncadd.s32 s4;
	_ =	sdelay $0x1  }
0xa1: {  	s23 =	simm.s32 $0x1B8B  }
0xa2: {  	_ =	swait.ge [sflag:s23], $0x1  }
0xa3: {  	[sflag:s23] =	ssyncset.done $0x0  }
0xa4: {  	s25 =	simm.s32 $0x1B8E;
	s24 =	sld [smem:$0x3FFE];
	[sflag:s23] =	ssyncadd.s32 $0xFFFFFFFF  }
0xa5: {  	s26 =	simm.s32 $execute0_lowered;
	[smem:$0x3FD2] =	sst s25  }
0xa6: {  	s5 =	sshll.u32 s26, $0x1;
	_ =	strace $0x80000046;
	[dreg:$0x1] =	wrdreg $0xFFFFFFFF  }
0xa7: {  	s28 =	simm.s32 $_size_execute0_lowered;
	s3 =	sadd.s32 s3, s5;
	[dreg:$0x0] =	wrdreg $0x0  }
0xa8: {  	s5 =	sshll.u32 s28, $0x1;
	[dreg:$0x2] =	wrdreg s3  }
0xa9: {  	[dreg:$0x3] =	wrdreg s5  }
0xaa: {  	[dreg:$0x4] =	wrdreg $0xC0  }
0xab: {  	_ =	task [dreg:s7], $0x5FFFF  }
0xac: {  	[dreg:$0x1] =	wrdreg $0xFFFFFFFF  }
0xad: {  	[dreg:$0x0] =	wrdreg $0x60  }
0xae: {  	[dreg:$0x2] =	wrdreg s24  }
0xaf: {  	[dreg:$0x3] =	wrdreg s2  }
0xb0: {  	[dreg:$0x4] =	wrdreg $0xA3800  }
0xb1: {  	[dreg:$0x5] =	wrdreg $0x173A00  }
0xb2: {  	[dreg:$0x6] =	wrdreg $0x9  }
0xb3: {  	_ =	task.clear_ibuf [dreg:s7], $0x7FFFF;
	_ =	strace $0x90000046  }
0xb4: {  	s29 =	simm.s32 $0x9;
	_ =	strace $0x80000048  }
0xb5: {  	_ =	swait.ge [sflag:s29], $0x1  }
0xb6: {  	[sflag:s29] =	ssyncadd.s32 $0xFFFFFFFF  }
0xb7: {  	_ =	strace $0x90000048  }
0xb8: {  	_ =	sfence  }
0xb9: {  	s30 =	sld [smem:$0x0];
	_ =	sdelay $0x2  }
0xba: {  	s31 =	sshll.u32 s1, $0xD;
	s1 =	sshrl.u32 s1, $0x2  }
0xbb: {  	s3 =	sand.u32 $0x4000, s31;
	s1 =	sadd.s32 s1, s30  }
0xbc: {  	s0 =	sor.u32 s3, s0;
	s1 =	sshll.u32 s1, $0x11  }
0xbd: {  	s0 =	sor.u32 s1, s0  }
0xbe: {  	s0 =	sadd.s32 $0x8F2B, s0  }
0xbf: {  	[sflag:s0] =	ssyncadd.remote.s32 $0x1  }
0xc0: {  	_ =	sfence.sel $0xFFFF  }
0xc1: {  	[dreg:$0x0] =	wrdreg $0xFFFFFFFF;
	(pc) =	sbr.abs _section_cstart, $3  }
0xc2: {  	[dreg:$0x1] =	wrdreg $0xFFFFFFFF  }
0xc3: {  	_ =	task.clear_ibuf [dreg:s7], $0x2FFFF;
	_ =	strace $0x9FFFFFFF  }
0xc4: {  	(tm) =	ssettm $0x7FFFFFFF  }
0xc5: {  	_ =	shalt  }
tec
execute0_lowered:
.L_overlay_start_1:
0x0: {  	(tag) =	ssettag $0x1  }
0x1: {  	s0 =	rddreg [dreg:$0x0]  }
0x2: {  	s1 =	rddreg [dreg:$0x1]  }
0x3: {  	s2 =	rddreg [dreg:$0x2]  }
0x4: {  	s3 =	rddreg [dreg:$0x3];
	s4 =	simm.s32 $0x0;
	s5 =	srdreg.scid  }
0x5: {  	s28 =	simm.s32 $0x2;
	s29 =	simm.s32 $0x8980;
	s30 =	simm.s32 $0x5180  }
0x6: {  	[smem:$0x7FF] =	sst s4;
	s4 =	stileid.u32;
	s7 =	sadd.s32 $0x2400, s0  }
0x7: {  	s5 =	sand.u32 $0x1, s5;
	s9 =	sadd.s32 $0x14A00, s0;
	s6 =	sadd.s32 $0x27000, s0  }
0x8: {  	s10 =	sadd.s32 $0x1C00, s0;
	s18 =	sadd.s32 $0xEA800, s0;
	s19 =	sadd.s32 $0xEA600, s0  }
0x9: {  	_ =	strace $0x80000047;
	[dreg:$0x5] =	wrdreg s10;
	s13 =	smul.u32 $0x34000, s4  }
0xa: {  	s8 =	sshll.u32 s4, $0x1;
	[dreg:$0x6] =	wrdreg s18;
	s21 =	smul.u32 $0x340, s4  }
0xb: {  	s11 =	ssub.s32 $0x2, s5;
	[dreg:$0x7] =	wrdreg s19;
	s24 =	smul.u32 $0x6800, s4  }
0xc: {  	s8 =	sor.u32 s5, s8;
	s12 =	sshrl.u32 s11, $0x1;
	s5 =	smul.u32 $0x4E000, s5  }
0xd: {  	s10 =	sadd.s32 $0xEAC00, s0;
	s8 =	smul.u32 $0x1880, s8;
	s20 =	ssub.s32 s11, s12  }
0xe: {  	s22 =	sshrl.u32 s13, $0x2;
	s13 =	sshrl.u32 s24, $0x2;
	s11 =	simm.s32 $0x0  }
0xf: {  	s12 =	sadd.s32 s22, s2;
	s17 =	sadd.s32 s13, s3;
	s18 =	sadd.s32 s5, s21  }
0x10: {  	s0 =	smax.u32 s20, $0x1;
	s8 =	sshrl.u32 s8, $0x3;
	s15 =	sadd.s32 $0x6800, s12  }
0x11: {  	s16 =	sadd.s32 $0x9C00, s12;
	s21 =	sadd.s32 $0x1A000, s18;
	s24 =	sadd.s32 $0x34000, s18  }
0x12: {  	[dreg:$0xe] =	wrdreg s0;
	s0 =	simm.s32 $0x80;
	s23 =	sadd.s32 s7, s8  }
0x13: {  	s14 =	sadd.s32 s9, s8;
	s25 =	sadd.s32 $0x6200, s8;
	[dreg:$0x8] =	wrdreg s23  }
0x14: {  	s31 =	sadd.s32 $0xC400, s8;
	[dreg:$0x9] =	wrdreg s14;
	s26 =	sadd.s32 s7, s25  }
0x15: {  	s8 =	simm.s32 $0x1;
	s5 =	sadd.s32 s9, s25;
	[dreg:$0xa] =	wrdreg s26  }
0x16: {  	s14 =	sadd.s32 $0x3400, s12;
	s7 =	sadd.s32 s7, s31;
	[dreg:$0xb] =	wrdreg s5  }
0x17: {  	[dreg:$0xc] =	wrdreg s7;
	s5 =	sadd.s32 s9, s31;
	s26 =	simm.s32 $0x5580  }
0x18: {  	s7 =	simm.s32 $0x3180;
	s9 =	simm.s32 $0x3100;
	[dreg:$0xd] =	wrdreg s5  }
.LBB2_1:
0x19: {  	[dreg:$0xf] =	wrdreg s11  }
0x1a: {  	s5 =	simm.s32 $0x0;
	s20 =	rddreg [dreg:$0x5]  }
0x1b: {  	[tilespmem:s26], [sflag:$0x2] =	stream.linear.gather [hbm4b:s20+s5], $0x3400, $0x38;
	[tilespmem:$0x18DA8] =	vst v63  }
0x1c: {  	_ =	swait.ge [sflag:s28], $0x3400  }
0x1d: {  	[sflag:s28] =	ssyncset.done $0x0  }
0x1e: {  	s22 =	rddreg [dreg:$0x6];
	[sflag:s28] =	ssyncadd.s32 $0xFFFFCC00  }
0x1f: {  	[tilespmem:s29], [sflag:$0x2] =	stream.linear.gather [hbm4b:s22+s5], $0x1A00, $0x38;
	[tilespmem:$0x18DA8] =	vst v63  }
0x20: {  	_ =	swait.ge [sflag:s28], $0x1A00  }
0x21: {  	[sflag:s28] =	ssyncset.done $0x0  }
0x22: {  	s23 =	rddreg [dreg:$0x7];
	[sflag:s28] =	ssyncadd.s32 $0xFFFFE600  }
0x23: {  	[tilespmem:s30], [sflag:$0x2] =	stream.linear.gather [hbm4b:s23+s5], $0x400, $0x38;
	[tilespmem:$0x18DA8] =	vst v63  }
0x24: {  	_ =	swait.ge [sflag:s28], $0x400  }
0x25: {  	[sflag:s28] =	ssyncset.done $0x0  }
0x26: {  	s25 =	rddreg [dreg:$0x8];
	[sflag:s28] =	ssyncadd.s32 $0xFFFFFC00  }
0x27: {  	[tilespmem:s5], [sflag:$0x2] =	stream.linear.gather [hbm4b:s25+s5], $0x1880, $0x38;
	[tilespmem:$0x18DA8] =	vst v63  }
0x28: {  	_ =	swait.ge [sflag:s28], $0x1880  }
0x29: {  	[sflag:s28] =	ssyncset.done $0x0  }
0x2a: {  	s13 =	simm.s32 $0x1880;
	s31 =	rddreg [dreg:$0x9];
	[sflag:s28] =	ssyncadd.s32 $0xFFFFE780  }
0x2b: {  	[tilespmem:s13], [sflag:$0x2] =	stream.linear.gather [hbm4b:s31+s5], $0x1880, $0x38;
	[tilespmem:$0x18DA8] =	vst v63  }
0x2c: {  	_ =	swait.ge [sflag:s28], $0x1880  }
0x2d: {  	[sflag:s28] =	ssyncset.done $0x0  }
0x2e: {  	s22 =	simm.s32 $0x0;
	[sflag:s28] =	ssyncadd.s32 $0xFFFFE780  }
.LBB2_2:
0x2f: {  	[spmem:s12] =	stream.linear.scatter [tilespmem:s26], [sflag:$0x2], $0x3400, $0x38;
	[tilespmem:$0x18DA8] =	vst v63  }
0x30: {  	_ =	swait.ge [sflag:s28], $0x3400  }
0x31: {  	[sflag:s28] =	ssyncset.done $0x0  }
0x32: {  	[sflag:s28] =	ssyncadd.s32 $0xFFFFCC00  }
0x33: {  	[spmem:s14] =	stream.linear.scatter [tilespmem:s26], [sflag:$0x2], $0x3400, $0x38;
	[tilespmem:$0x18DA8] =	vst v63  }
0x34: {  	_ =	swait.ge [sflag:s28], $0x3400  }
0x35: {  	[sflag:s28] =	ssyncset.done $0x0  }
0x36: {  	[sflag:s28] =	ssyncadd.s32 $0xFFFFCC00  }
0x37: {  	[spmem:s15] =	stream.linear.scatter [tilespmem:s26], [sflag:$0x2], $0x3400, $0x38;
	[tilespmem:$0x18DA8] =	vst v63  }
0x38: {  	_ =	swait.ge [sflag:s28], $0x3400  }
0x39: {  	[sflag:s28] =	ssyncset.done $0x0  }
0x3a: {  	[sflag:s28] =	ssyncadd.s32 $0xFFFFCC00  }
0x3b: {  	[spmem:s16] =	stream.linear.scatter [tilespmem:s26], [sflag:$0x2], $0x3400, $0x38;
	[tilespmem:$0x18DA8] =	vst v63  }
0x3c: {  	_ =	swait.ge [sflag:s28], $0x3400  }
0x3d: {  	[sflag:s28] =	ssyncset.done $0x0  }
0x3e: {  	[sflag:s28] =	ssyncadd.s32 $0xFFFFCC00  }
0x3f: {  	[spmem:s17] =	stream.linear.scatter [tilespmem:s29], [sflag:$0x2], $0x1A00, $0x38;
	[tilespmem:$0x18DA8] =	vst v63  }
0x40: {  	_ =	swait.ge [sflag:s28], $0x1A00  }
0x41: {  	[sflag:s28] =	ssyncset.done $0x0  }
0x42: {  	[sflag:s28] =	ssyncadd.s32 $0xFFFFE600  }
0x43: {  	s5 =	simm.s32 $0x0;
	[bflag:$0x0] =	sbarrier.arrive $0xFFFF  }
0x44: {  	v1 =	vld [tilespmem:s5+$0x1880];
	_ =	sdelay $0x1  }
0x45: {  	s13 =	smul.u32 $0x3400, s22;
	_ =	sdelay $0x1  }
0x46: {  	v0 =	vmov s13  }
0x47: {  	v1 =	vsub.s32 v1, v0  }
0x48: {  	v1 =	vmin.u32 v1, $0x3400  }
0x49: {  	[tilespmem:$0x3100] =	vst v1  }
0x4a: {  	v1 =	vld [tilespmem:s5+$0x1890];
	_ =	sdelay $0x4  }
0x4b: {  	v1 =	vsub.s32 v1, v0  }
0x4c: {  	v1 =	vmin.u32 v1, $0x3400  }
0x4d: {  	[tilespmem:$0x3110] =	vst v1  }
0x4e: {  	v1 =	vld [tilespmem:s5+$0x18A0];
	_ =	sdelay $0x4  }
0x4f: {  	v1 =	vsub.s32 v1, v0  }
0x50: {  	v1 =	vmin.u32 v1, $0x3400  }
0x51: {  	[tilespmem:$0x3120] =	vst v1  }
0x52: {  	v1 =	vld [tilespmem:s5+$0x18B0];
	_ =	sdelay $0x4  }
0x53: {  	v1 =	vsub.s32 v1, v0  }
0x54: {  	v1 =	vmin.u32 v1, $0x3400  }
0x55: {  	[tilespmem:$0x3130] =	vst v1  }
0x56: {  	v1 =	vld [tilespmem:s5+$0x18C0];
	_ =	sdelay $0x4  }
0x57: {  	v1 =	vsub.s32 v1, v0  }
0x58: {  	v1 =	vmin.u32 v1, $0x3400  }
0x59: {  	[tilespmem:$0x3140] =	vst v1  }
0x5a: {  	v1 =	vld [tilespmem:s5+$0x18D0];
	_ =	sdelay $0x4  }
0x5b: {  	v1 =	vsub.s32 v1, v0  }
0x5c: {  	v1 =	vmin.u32 v1, $0x3400  }
0x5d: {  	[tilespmem:$0x3150] =	vst v1  }
0x5e: {  	v1 =	vld [tilespmem:s5+$0x18E0];
	_ =	sdelay $0x4  }
0x5f: {  	v1 =	vsub.s32 v1, v0  }
0x60: {  	v1 =	vmin.u32 v1, $0x3400  }
0x61: {  	[tilespmem:$0x3160] =	vst v1  }
0x62: {  	v1 =	vld [tilespmem:s5+$0x18F0];
	_ =	sdelay $0x4  }
0x63: {  	v1 =	vsub.s32 v1, v0  }
0x64: {  	v1 =	vmin.u32 v1, $0x3400  }
0x65: {  	[tilespmem:$0x3170] =	vst v1  }
0x66: {  	[tilespmem:s7], [sflag:$0x1] =	stream.indirect.gather [hbm4b:s6+s0], $0x40, s5, s0, $0xb8;
	[tilespmem:$0x18DA8] =	vst v63  }
0x67: {  	_ =	swait.ge [sflag:s8], $0x2000  }
0x68: {  	[sflag:s8] =	ssyncset.done $0x0  }
0x69: {  	[sflag:s8] =	ssyncadd.s32 $0xFFFFE000  }
0x6a: {  	[spmem:s2] =	stream.indirect.scatter.add.bf16 [tilespmem:s7], [sflag:$0x2], $0x40, s9, s0, $0xb8;
	[tilespmem:$0x18DA8] =	vst v63  }
0x6b: {  	_ =	swait.ge [sflag:s28], $0x2000  }
0x6c: {  	[sflag:s28] =	ssyncset.done $0x0  }
0x6d: {  	[sflag:s28] =	ssyncadd.s32 $0xFFFFE000  }
0x6e: {  	[spmem:s3] =	stream.indirect.scatter.add.f32 [tilespmem:s30], [sflag:$0x2], $0x8, s9, s0, $0xb8;
	[tilespmem:$0x18DA8] =	vst v63  }
0x6f: {  	_ =	swait.ge [sflag:s28], $0x400  }
0x70: {  	s19 =	simm.s32 $0x200;
	s5 =	simm.s32 $0x400;
	[sflag:s28] =	ssyncset.done $0x0  }
.LBB2_3:
0x71: {  	s23 =	sshra.s32 s19, $0x2  }
0x72: {  	[sflag:s28] =	ssyncadd.s32 $0xFFFFFC00;
	s19 =	smov.u32 s5;
	s20 =	sadd.s32 $0x200, s5  }
0x73: {  	p0 =	sne.s32 s5, $0x6000;
	v1 =	vld [tilespmem:s23+$0x1880];
	_ =	sdelay $0x4  }
0x74: {  	v1 =	vsub.s32 v1, v0  }
0x75: {  	v1 =	vmin.u32 v1, $0x3400  }
0x76: {  	[tilespmem:$0x3100] =	vst v1  }
0x77: {  	v1 =	vld [tilespmem:s23+$0x1890];
	_ =	sdelay $0x4  }
0x78: {  	v1 =	vsub.s32 v1, v0  }
0x79: {  	v1 =	vmin.u32 v1, $0x3400  }
0x7a: {  	[tilespmem:$0x3110] =	vst v1  }
0x7b: {  	v1 =	vld [tilespmem:s23+$0x18A0];
	_ =	sdelay $0x4  }
0x7c: {  	v1 =	vsub.s32 v1, v0  }
0x7d: {  	v1 =	vmin.u32 v1, $0x3400  }
0x7e: {  	[tilespmem:$0x3120] =	vst v1  }
0x7f: {  	v1 =	vld [tilespmem:s23+$0x18B0];
	_ =	sdelay $0x4  }
0x80: {  	v1 =	vsub.s32 v1, v0  }
0x81: {  	v1 =	vmin.u32 v1, $0x3400  }
0x82: {  	[tilespmem:$0x3130] =	vst v1  }
0x83: {  	v1 =	vld [tilespmem:s23+$0x18C0];
	_ =	sdelay $0x4  }
0x84: {  	v1 =	vsub.s32 v1, v0  }
0x85: {  	v1 =	vmin.u32 v1, $0x3400  }
0x86: {  	[tilespmem:$0x3140] =	vst v1  }
0x87: {  	v1 =	vld [tilespmem:s23+$0x18D0];
	_ =	sdelay $0x4  }
0x88: {  	v1 =	vsub.s32 v1, v0  }
0x89: {  	v1 =	vmin.u32 v1, $0x3400  }
0x8a: {  	[tilespmem:$0x3150] =	vst v1  }
0x8b: {  	v1 =	vld [tilespmem:s23+$0x18E0];
	_ =	sdelay $0x4  }
0x8c: {  	v1 =	vsub.s32 v1, v0  }
0x8d: {  	v1 =	vmin.u32 v1, $0x3400  }
0x8e: {  	[tilespmem:$0x3160] =	vst v1  }
0x8f: {  	v1 =	vld [tilespmem:s23+$0x18F0];
	_ =	sdelay $0x4  }
0x90: {  	v1 =	vsub.s32 v1, v0  }
0x91: {  	v1 =	vmin.u32 v1, $0x3400  }
0x92: {  	[tilespmem:$0x3170] =	vst v1  }
0x93: {  	[tilespmem:s7], [sflag:$0x1] =	stream.indirect.gather [hbm4b:s6+s0], $0x40, s23, s0, $0xb8;
	[tilespmem:$0x18DA8] =	vst v63  }
0x94: {  	_ =	swait.ge [sflag:s8], $0x2000  }
0x95: {  	[sflag:s8] =	ssyncset.done $0x0  }
0x96: {  	[sflag:s8] =	ssyncadd.s32 $0xFFFFE000  }
0x97: {  	[spmem:s2] =	stream.indirect.scatter.add.bf16 [tilespmem:s7], [sflag:$0x2], $0x40, s9, s0, $0xb8;
	[tilespmem:$0x18DA8] =	vst v63  }
0x98: {  	_ =	swait.ge [sflag:s28], $0x2000  }
.Ltmp0:
0x99: {  	[sflag:s28] =	ssyncset.done $0x0;
	(pc) =	sbr.rel @p0 .LBB2_3-.Ltmp0, $4  }
0x9a: {  	[sflag:s28] =	ssyncadd.s32 $0xFFFFE000  }
0x9b: {  	[spmem:s3] =	stream.indirect.scatter.add.f32 [tilespmem:s30], [sflag:$0x2], $0x8, s9, s0, $0xb8;
	[tilespmem:$0x18DA8] =	vst v63  }
0x9c: {  	_ =	swait.ge [sflag:s28], $0x400  }
0x9d: {  	s5 =	smov.u32 s20;
	[sflag:s28] =	ssyncset.done $0x0  }
0x9e: {  	s5 =	sshra.s32 s19, $0x2;
	[sflag:s28] =	ssyncadd.s32 $0xFFFFFC00  }
0x9f: {  	v1 =	vld [tilespmem:s5+$0x1880];
	_ =	sdelay $0x4  }
0xa0: {  	v1 =	vsub.s32 v1, v0  }
0xa1: {  	v1 =	vmin.u32 v1, $0x3400  }
0xa2: {  	[tilespmem:$0x3100] =	vst v1  }
0xa3: {  	v1 =	vld [tilespmem:s5+$0x1890];
	_ =	sdelay $0x4  }
0xa4: {  	v1 =	vsub.s32 v1, v0  }
0xa5: {  	v1 =	vmin.u32 v1, $0x3400  }
0xa6: {  	[tilespmem:$0x3110] =	vst v1  }
0xa7: {  	v1 =	vld [tilespmem:s5+$0x18A0];
	_ =	sdelay $0x4  }
0xa8: {  	v1 =	vsub.s32 v1, v0  }
0xa9: {  	v1 =	vmin.u32 v1, $0x3400  }
0xaa: {  	[tilespmem:$0x3120] =	vst v1  }
0xab: {  	v1 =	vld [tilespmem:s5+$0x18B0];
	_ =	sdelay $0x4  }
0xac: {  	v1 =	vsub.s32 v1, v0  }
0xad: {  	v1 =	vmin.u32 v1, $0x3400  }
0xae: {  	[tilespmem:$0x3130] =	vst v1  }
0xaf: {  	v1 =	vld [tilespmem:s5+$0x18C0];
	_ =	sdelay $0x4  }
0xb0: {  	v1 =	vsub.s32 v1, v0  }
0xb1: {  	v1 =	vmin.u32 v1, $0x3400  }
0xb2: {  	[tilespmem:$0x3140] =	vst v1  }
0xb3: {  	v1 =	vld [tilespmem:s5+$0x18D0];
	_ =	sdelay $0x4  }
0xb4: {  	v1 =	vsub.s32 v1, v0  }
0xb5: {  	v1 =	vmin.u32 v1, $0x3400  }
0xb6: {  	[tilespmem:$0x3150] =	vst v1  }
0xb7: {  	v1 =	vld [tilespmem:s5+$0x18E0];
	_ =	sdelay $0x4  }
0xb8: {  	v1 =	vsub.s32 v1, v0  }
0xb9: {  	v1 =	vmin.u32 v1, $0x3400  }
0xba: {  	[tilespmem:$0x3160] =	vst v1  }
0xbb: {  	v1 =	vld [tilespmem:s5+$0x18F0];
	_ =	sdelay $0x4  }
0xbc: {  	v63 =	vsub.s32 v1, v0  }
0xbd: {  	v0 =	vmin.u32 v63, $0x3400  }
0xbe: {  	[tilespmem:$0x3170] =	vst v0  }
0xbf: {  	[tilespmem:s7], [sflag:$0x1] =	stream.indirect.gather [hbm4b:s6+s0], $0x40, s5, s0, $0xb8;
	[tilespmem:$0x18DA8] =	vst v63  }
0xc0: {  	_ =	swait.ge [sflag:s8], $0x2000  }
0xc1: {  	[sflag:s8] =	ssyncset.done $0x0  }
0xc2: {  	[sflag:s8] =	ssyncadd.s32 $0xFFFFE000  }
0xc3: {  	[spmem:s2] =	stream.indirect.scatter.add.bf16 [tilespmem:s7], [sflag:$0x2], $0x40, s9, s0, $0xb8;
	[tilespmem:$0x18DA8] =	vst v63  }
0xc4: {  	_ =	swait.ge [sflag:s28], $0x2000  }
0xc5: {  	[sflag:s28] =	ssyncset.done $0x0  }
0xc6: {  	[sflag:s28] =	ssyncadd.s32 $0xFFFFE000  }
0xc7: {  	[spmem:s3] =	stream.indirect.scatter.add.f32 [tilespmem:s30], [sflag:$0x2], $0x8, s9, s0, $0xb8;
	[tilespmem:$0x18DA8] =	vst v63  }
0xc8: {  	_ =	swait.ge [sflag:s28], $0x400  }
0xc9: {  	s25 =	sadd.s32 s13, s18;
	s31 =	sshll.u32 s4, $0x6;
	[sflag:s28] =	ssyncset.done $0x0  }
0xca: {  	s19 =	sshrl.u32 s12, $0x3;
	s11 =	sshll.u32 s25, $0x3;
	[sflag:s28] =	ssyncadd.s32 $0xFFFFFC00  }
0xcb: {  	s13 =	sor.u32 $0x1C02, s31;
	s11 =	sadd.s32 s10, s11;
	[bflag:$0x0] =	sbarrier.arrive $0xFFFF  }
0xcc: {  	[hbm:s11], [sflag:s13] =	dma.local [spmem:s19], $0x1A00  }
0xcd: {  	_ =	swait.ge [sflag:s28], $0x1A00  }
0xce: {  	s20 =	sshrl.u32 s17, $0x3;
	s22 =	sadd.s32 $0x1, s22;
	[sflag:s28] =	ssyncset.done $0x0  }
0xcf: {  	p0 =	sne.s32 s22, $0x8;
	s5 =	sadd.s32 s1, s25;
	[sflag:s28] =	ssyncadd.s32 $0xFFFFE600  }
0xd0: {  	[hbm:s5], [sflag:s13] =	dma.local [spmem:s20], $0x340  }
.Ltmp1:
0xd1: {  	_ =	swait.ge [sflag:s28], $0x340;
	(pc) =	sbr.rel @p0 .LBB2_2-.Ltmp1, $3  }
0xd2: {  	[sflag:s28] =	ssyncset.done $0x0  }
0xd3: {  	[sflag:s28] =	ssyncadd.s32 $0xFFFFFCC0  }
0xd4: {  	[bflag:$0x0] =	sbarrier.arrive $0xFFFF;
	_ =	sdelay $0x1  }
0xd5: {  	s22 =	simm.s32 $0x0;
	s5 =	rddreg [dreg:$0xa]  }
0xd6: {  	[tilespmem:s22], [sflag:$0x2] =	stream.linear.gather [hbm4b:s5+s22], $0x1880, $0x38;
	[tilespmem:$0x18DA8] =	vst v63  }
0xd7: {  	_ =	swait.ge [sflag:s28], $0x1880  }
0xd8: {  	[sflag:s28] =	ssyncset.done $0x0  }
0xd9: {  	s11 =	simm.s32 $0x1880;
	s31 =	rddreg [dreg:$0xb];
	[sflag:s28] =	ssyncadd.s32 $0xFFFFE780  }
0xda: {  	[tilespmem:s11], [sflag:$0x2] =	stream.linear.gather [hbm4b:s31+s22], $0x1880, $0x38;
	[tilespmem:$0x18DA8] =	vst v63  }
0xdb: {  	_ =	swait.ge [sflag:s28], $0x1880  }
0xdc: {  	[sflag:s28] =	ssyncset.done $0x0  }
0xdd: {  	[sflag:s28] =	ssyncadd.s32 $0xFFFFE780  }
.LBB2_6:
0xde: {  	[spmem:s12] =	stream.linear.scatter [tilespmem:s26], [sflag:$0x2], $0x3400, $0x38;
	[tilespmem:$0x18DA8] =	vst v63  }
0xdf: {  	_ =	swait.ge [sflag:s28], $0x3400  }
0xe0: {  	[sflag:s28] =	ssyncset.done $0x0  }
0xe1: {  	[sflag:s28] =	ssyncadd.s32 $0xFFFFCC00  }
0xe2: {  	[spmem:s14] =	stream.linear.scatter [tilespmem:s26], [sflag:$0x2], $0x3400, $0x38;
	[tilespmem:$0x18DA8] =	vst v63  }
0xe3: {  	_ =	swait.ge [sflag:s28], $0x3400  }
0xe4: {  	[sflag:s28] =	ssyncset.done $0x0  }
0xe5: {  	[sflag:s28] =	ssyncadd.s32 $0xFFFFCC00  }
0xe6: {  	[spmem:s15] =	stream.linear.scatter [tilespmem:s26], [sflag:$0x2], $0x3400, $0x38;
	[tilespmem:$0x18DA8] =	vst v63  }
0xe7: {  	_ =	swait.ge [sflag:s28], $0x3400  }
0xe8: {  	[sflag:s28] =	ssyncset.done $0x0  }
0xe9: {  	[sflag:s28] =	ssyncadd.s32 $0xFFFFCC00  }
0xea: {  	[spmem:s16] =	stream.linear.scatter [tilespmem:s26], [sflag:$0x2], $0x3400, $0x38;
	[tilespmem:$0x18DA8] =	vst v63  }
0xeb: {  	_ =	swait.ge [sflag:s28], $0x3400  }
0xec: {  	[sflag:s28] =	ssyncset.done $0x0  }
0xed: {  	[sflag:s28] =	ssyncadd.s32 $0xFFFFCC00  }
0xee: {  	[spmem:s17] =	stream.linear.scatter [tilespmem:s29], [sflag:$0x2], $0x1A00, $0x38;
	[tilespmem:$0x18DA8] =	vst v63  }
0xef: {  	_ =	swait.ge [sflag:s28], $0x1A00  }
0xf0: {  	[sflag:s28] =	ssyncset.done $0x0  }
0xf1: {  	[sflag:s28] =	ssyncadd.s32 $0xFFFFE600  }
0xf2: {  	s5 =	simm.s32 $0x0;
	[bflag:$0x0] =	sbarrier.arrive $0xFFFF  }
0xf3: {  	v1 =	vld [tilespmem:s5+$0x1880];
	_ =	sdelay $0x1  }
0xf4: {  	s23 =	smul.u32 $0x3400, s22;
	_ =	sdelay $0x1  }
0xf5: {  	v0 =	vmov s23  }
0xf6: {  	v1 =	vsub.s32 v1, v0  }
0xf7: {  	v1 =	vmin.u32 v1, $0x3400  }
0xf8: {  	[tilespmem:$0x3100] =	vst v1  }
0xf9: {  	v1 =	vld [tilespmem:s5+$0x1890];
	_ =	sdelay $0x4  }
0xfa: {  	v1 =	vsub.s32 v1, v0  }
0xfb: {  	v1 =	vmin.u32 v1, $0x3400  }
0xfc: {  	[tilespmem:$0x3110] =	vst v1  }
0xfd: {  	v1 =	vld [tilespmem:s5+$0x18A0];
	_ =	sdelay $0x4  }
0xfe: {  	v1 =	vsub.s32 v1, v0  }
0xff: {  	v1 =	vmin.u32 v1, $0x3400  }
0x100: {  	[tilespmem:$0x3120] =	vst v1  }
0x101: {  	v1 =	vld [tilespmem:s5+$0x18B0];
	_ =	sdelay $0x4  }
0x102: {  	v1 =	vsub.s32 v1, v0  }
0x103: {  	v1 =	vmin.u32 v1, $0x3400  }
0x104: {  	[tilespmem:$0x3130] =	vst v1  }
0x105: {  	v1 =	vld [tilespmem:s5+$0x18C0];
	_ =	sdelay $0x4  }
0x106: {  	v1 =	vsub.s32 v1, v0  }
0x107: {  	v1 =	vmin.u32 v1, $0x3400  }
0x108: {  	[tilespmem:$0x3140] =	vst v1  }
0x109: {  	v1 =	vld [tilespmem:s5+$0x18D0];
	_ =	sdelay $0x4  }
0x10a: {  	v1 =	vsub.s32 v1, v0  }
0x10b: {  	v1 =	vmin.u32 v1, $0x3400  }
0x10c: {  	[tilespmem:$0x3150] =	vst v1  }
0x10d: {  	v1 =	vld [tilespmem:s5+$0x18E0];
	_ =	sdelay $0x4  }
0x10e: {  	v1 =	vsub.s32 v1, v0  }
0x10f: {  	v1 =	vmin.u32 v1, $0x3400  }
0x110: {  	[tilespmem:$0x3160] =	vst v1  }
0x111: {  	v1 =	vld [tilespmem:s5+$0x18F0];
	_ =	sdelay $0x4  }
0x112: {  	v1 =	vsub.s32 v1, v0  }
0x113: {  	v1 =	vmin.u32 v1, $0x3400  }
0x114: {  	[tilespmem:$0x3170] =	vst v1  }
0x115: {  	[tilespmem:s7], [sflag:$0x1] =	stream.indirect.gather [hbm4b:s6+s0], $0x40, s5, s0, $0xb8;
	[tilespmem:$0x18DA8] =	vst v63  }
0x116: {  	_ =	swait.ge [sflag:s8], $0x2000  }
0x117: {  	[sflag:s8] =	ssyncset.done $0x0  }
0x118: {  	[sflag:s8] =	ssyncadd.s32 $0xFFFFE000  }
0x119: {  	[spmem:s2] =	stream.indirect.scatter.add.bf16 [tilespmem:s7], [sflag:$0x2], $0x40, s9, s0, $0xb8;
	[tilespmem:$0x18DA8] =	vst v63  }
0x11a: {  	_ =	swait.ge [sflag:s28], $0x2000  }
0x11b: {  	[sflag:s28] =	ssyncset.done $0x0  }
0x11c: {  	[sflag:s28] =	ssyncadd.s32 $0xFFFFE000  }
0x11d: {  	[spmem:s3] =	stream.indirect.scatter.add.f32 [tilespmem:s30], [sflag:$0x2], $0x8, s9, s0, $0xb8;
	[tilespmem:$0x18DA8] =	vst v63  }
0x11e: {  	_ =	swait.ge [sflag:s28], $0x400  }
0x11f: {  	s25 =	simm.s32 $0x200;
	s31 =	simm.s32 $0x400;
	[sflag:s28] =	ssyncset.done $0x0  }
.LBB2_7:
0x120: {  	s5 =	sshra.s32 s25, $0x2  }
0x121: {  	[sflag:s28] =	ssyncadd.s32 $0xFFFFFC00;
	s25 =	smov.u32 s31;
	s11 =	sadd.s32 $0x200, s31  }
0x122: {  	p0 =	sne.s32 s31, $0x6000;
	v1 =	vld [tilespmem:s5+$0x1880];
	_ =	sdelay $0x4  }
0x123: {  	v1 =	vsub.s32 v1, v0  }
0x124: {  	v1 =	vmin.u32 v1, $0x3400  }
0x125: {  	[tilespmem:$0x3100] =	vst v1  }
0x126: {  	v1 =	vld [tilespmem:s5+$0x1890];
	_ =	sdelay $0x4  }
0x127: {  	v1 =	vsub.s32 v1, v0  }
0x128: {  	v1 =	vmin.u32 v1, $0x3400  }
0x129: {  	[tilespmem:$0x3110] =	vst v1  }
0x12a: {  	v1 =	vld [tilespmem:s5+$0x18A0];
	_ =	sdelay $0x4  }
0x12b: {  	v1 =	vsub.s32 v1, v0  }
0x12c: {  	v1 =	vmin.u32 v1, $0x3400  }
0x12d: {  	[tilespmem:$0x3120] =	vst v1  }
0x12e: {  	v1 =	vld [tilespmem:s5+$0x18B0];
	_ =	sdelay $0x4  }
0x12f: {  	v1 =	vsub.s32 v1, v0  }
0x130: {  	v1 =	vmin.u32 v1, $0x3400  }
0x131: {  	[tilespmem:$0x3130] =	vst v1  }
0x132: {  	v1 =	vld [tilespmem:s5+$0x18C0];
	_ =	sdelay $0x4  }
0x133: {  	v1 =	vsub.s32 v1, v0  }
0x134: {  	v1 =	vmin.u32 v1, $0x3400  }
0x135: {  	[tilespmem:$0x3140] =	vst v1  }
0x136: {  	v1 =	vld [tilespmem:s5+$0x18D0];
	_ =	sdelay $0x4  }
0x137: {  	v1 =	vsub.s32 v1, v0  }
0x138: {  	v1 =	vmin.u32 v1, $0x3400  }
0x139: {  	[tilespmem:$0x3150] =	vst v1  }
0x13a: {  	v1 =	vld [tilespmem:s5+$0x18E0];
	_ =	sdelay $0x4  }
0x13b: {  	v1 =	vsub.s32 v1, v0  }
0x13c: {  	v1 =	vmin.u32 v1, $0x3400  }
0x13d: {  	[tilespmem:$0x3160] =	vst v1  }
0x13e: {  	v1 =	vld [tilespmem:s5+$0x18F0];
	_ =	sdelay $0x4  }
0x13f: {  	v1 =	vsub.s32 v1, v0  }
0x140: {  	v1 =	vmin.u32 v1, $0x3400  }
0x141: {  	[tilespmem:$0x3170] =	vst v1  }
0x142: {  	[tilespmem:s7], [sflag:$0x1] =	stream.indirect.gather [hbm4b:s6+s0], $0x40, s5, s0, $0xb8;
	[tilespmem:$0x18DA8] =	vst v63  }
0x143: {  	_ =	swait.ge [sflag:s8], $0x2000  }
0x144: {  	[sflag:s8] =	ssyncset.done $0x0  }
0x145: {  	[sflag:s8] =	ssyncadd.s32 $0xFFFFE000  }
0x146: {  	[spmem:s2] =	stream.indirect.scatter.add.bf16 [tilespmem:s7], [sflag:$0x2], $0x40, s9, s0, $0xb8;
	[tilespmem:$0x18DA8] =	vst v63  }
0x147: {  	_ =	swait.ge [sflag:s28], $0x2000  }
.Ltmp2:
0x148: {  	[sflag:s28] =	ssyncset.done $0x0;
	(pc) =	sbr.rel @p0 .LBB2_7-.Ltmp2, $4  }
0x149: {  	[sflag:s28] =	ssyncadd.s32 $0xFFFFE000  }
0x14a: {  	[spmem:s3] =	stream.indirect.scatter.add.f32 [tilespmem:s30], [sflag:$0x2], $0x8, s9, s0, $0xb8;
	[tilespmem:$0x18DA8] =	vst v63  }
0x14b: {  	_ =	swait.ge [sflag:s28], $0x400  }
0x14c: {  	s31 =	smov.u32 s11;
	[sflag:s28] =	ssyncset.done $0x0  }
0x14d: {  	s5 =	sshra.s32 s25, $0x2;
	[sflag:s28] =	ssyncadd.s32 $0xFFFFFC00  }
0x14e: {  	v1 =	vld [tilespmem:s5+$0x1880];
	_ =	sdelay $0x4  }
0x14f: {  	v1 =	vsub.s32 v1, v0  }
0x150: {  	v1 =	vmin.u32 v1, $0x3400  }
0x151: {  	[tilespmem:$0x3100] =	vst v1  }
0x152: {  	v1 =	vld [tilespmem:s5+$0x1890];
	_ =	sdelay $0x4  }
0x153: {  	v1 =	vsub.s32 v1, v0  }
0x154: {  	v1 =	vmin.u32 v1, $0x3400  }
0x155: {  	[tilespmem:$0x3110] =	vst v1  }
0x156: {  	v1 =	vld [tilespmem:s5+$0x18A0];
	_ =	sdelay $0x4  }
0x157: {  	v1 =	vsub.s32 v1, v0  }
0x158: {  	v1 =	vmin.u32 v1, $0x3400  }
0x159: {  	[tilespmem:$0x3120] =	vst v1  }
0x15a: {  	v1 =	vld [tilespmem:s5+$0x18B0];
	_ =	sdelay $0x4  }
0x15b: {  	v1 =	vsub.s32 v1, v0  }
0x15c: {  	v1 =	vmin.u32 v1, $0x3400  }
0x15d: {  	[tilespmem:$0x3130] =	vst v1  }
0x15e: {  	v1 =	vld [tilespmem:s5+$0x18C0];
	_ =	sdelay $0x4  }
0x15f: {  	v1 =	vsub.s32 v1, v0  }
0x160: {  	v1 =	vmin.u32 v1, $0x3400  }
0x161: {  	[tilespmem:$0x3140] =	vst v1  }
0x162: {  	v1 =	vld [tilespmem:s5+$0x18D0];
	_ =	sdelay $0x4  }
0x163: {  	v1 =	vsub.s32 v1, v0  }
0x164: {  	v1 =	vmin.u32 v1, $0x3400  }
0x165: {  	[tilespmem:$0x3150] =	vst v1  }
0x166: {  	v1 =	vld [tilespmem:s5+$0x18E0];
	_ =	sdelay $0x4  }
0x167: {  	v1 =	vsub.s32 v1, v0  }
0x168: {  	v1 =	vmin.u32 v1, $0x3400  }
0x169: {  	[tilespmem:$0x3160] =	vst v1  }
0x16a: {  	v1 =	vld [tilespmem:s5+$0x18F0];
	_ =	sdelay $0x4  }
0x16b: {  	v63 =	vsub.s32 v1, v0  }
0x16c: {  	v0 =	vmin.u32 v63, $0x3400  }
0x16d: {  	[tilespmem:$0x3170] =	vst v0  }
0x16e: {  	[tilespmem:s7], [sflag:$0x1] =	stream.indirect.gather [hbm4b:s6+s0], $0x40, s5, s0, $0xb8;
	[tilespmem:$0x18DA8] =	vst v63  }
0x16f: {  	_ =	swait.ge [sflag:s8], $0x2000  }
0x170: {  	[sflag:s8] =	ssyncset.done $0x0  }
0x171: {  	[sflag:s8] =	ssyncadd.s32 $0xFFFFE000  }
0x172: {  	[spmem:s2] =	stream.indirect.scatter.add.bf16 [tilespmem:s7], [sflag:$0x2], $0x40, s9, s0, $0xb8;
	[tilespmem:$0x18DA8] =	vst v63  }
0x173: {  	_ =	swait.ge [sflag:s28], $0x2000  }
0x174: {  	[sflag:s28] =	ssyncset.done $0x0  }
0x175: {  	[sflag:s28] =	ssyncadd.s32 $0xFFFFE000  }
0x176: {  	[spmem:s3] =	stream.indirect.scatter.add.f32 [tilespmem:s30], [sflag:$0x2], $0x8, s9, s0, $0xb8;
	[tilespmem:$0x18DA8] =	vst v63  }
0x177: {  	s31 =	sadd.s32 s23, s21;
	_ =	swait.ge [sflag:s28], $0x400  }
0x178: {  	s11 =	sshll.u32 s31, $0x3;
	[sflag:s28] =	ssyncset.done $0x0  }
0x179: {  	s11 =	sand.u32 $0xFFFFE00, s11;
	[sflag:s28] =	ssyncadd.s32 $0xFFFFFC00  }
0x17a: {  	s11 =	sadd.s32 s10, s11;
	[bflag:$0x0] =	sbarrier.arrive $0xFFFF  }
0x17b: {  	[hbm:s11], [sflag:s13] =	dma.local [spmem:s19], $0x1A00  }
0x17c: {  	_ =	swait.ge [sflag:s28], $0x1A00  }
0x17d: {  	s22 =	sadd.s32 $0x1, s22;
	[sflag:s28] =	ssyncset.done $0x0  }
0x17e: {  	p0 =	sne.s32 s22, $0x8;
	s5 =	sadd.s32 s1, s31;
	[sflag:s28] =	ssyncadd.s32 $0xFFFFE600  }
0x17f: {  	[hbm:s5], [sflag:s13] =	dma.local [spmem:s20], $0x340  }
.Ltmp3:
0x180: {  	_ =	swait.ge [sflag:s28], $0x340;
	(pc) =	sbr.rel @p0 .LBB2_6-.Ltmp3, $3  }
0x181: {  	[sflag:s28] =	ssyncset.done $0x0  }
0x182: {  	[sflag:s28] =	ssyncadd.s32 $0xFFFFFCC0  }
0x183: {  	[bflag:$0x0] =	sbarrier.arrive $0xFFFF;
	_ =	sdelay $0x1  }
0x184: {  	s22 =	simm.s32 $0x0;
	s5 =	rddreg [dreg:$0xc]  }
0x185: {  	[tilespmem:s22], [sflag:$0x2] =	stream.linear.gather [hbm4b:s5+s22], $0x1880, $0x38;
	[tilespmem:$0x18DA8] =	vst v63  }
0x186: {  	_ =	swait.ge [sflag:s28], $0x1880  }
0x187: {  	[sflag:s28] =	ssyncset.done $0x0  }
0x188: {  	s11 =	simm.s32 $0x1880;
	s31 =	rddreg [dreg:$0xd];
	[sflag:s28] =	ssyncadd.s32 $0xFFFFE780  }
0x189: {  	[tilespmem:s11], [sflag:$0x2] =	stream.linear.gather [hbm4b:s31+s22], $0x1880, $0x38;
	[tilespmem:$0x18DA8] =	vst v63  }
0x18a: {  	_ =	swait.ge [sflag:s28], $0x1880  }
0x18b: {  	[sflag:s28] =	ssyncset.done $0x0  }
0x18c: {  	[sflag:s28] =	ssyncadd.s32 $0xFFFFE780  }
.LBB2_10:
0x18d: {  	[spmem:s12] =	stream.linear.scatter [tilespmem:s26], [sflag:$0x2], $0x3400, $0x38;
	[tilespmem:$0x18DA8] =	vst v63  }
0x18e: {  	_ =	swait.ge [sflag:s28], $0x3400  }
0x18f: {  	[sflag:s28] =	ssyncset.done $0x0  }
0x190: {  	[sflag:s28] =	ssyncadd.s32 $0xFFFFCC00  }
0x191: {  	[spmem:s14] =	stream.linear.scatter [tilespmem:s26], [sflag:$0x2], $0x3400, $0x38;
	[tilespmem:$0x18DA8] =	vst v63  }
0x192: {  	_ =	swait.ge [sflag:s28], $0x3400  }
0x193: {  	[sflag:s28] =	ssyncset.done $0x0  }
0x194: {  	[sflag:s28] =	ssyncadd.s32 $0xFFFFCC00  }
0x195: {  	[spmem:s15] =	stream.linear.scatter [tilespmem:s26], [sflag:$0x2], $0x3400, $0x38;
	[tilespmem:$0x18DA8] =	vst v63  }
0x196: {  	_ =	swait.ge [sflag:s28], $0x3400  }
0x197: {  	[sflag:s28] =	ssyncset.done $0x0  }
0x198: {  	[sflag:s28] =	ssyncadd.s32 $0xFFFFCC00  }
0x199: {  	[spmem:s16] =	stream.linear.scatter [tilespmem:s26], [sflag:$0x2], $0x3400, $0x38;
	[tilespmem:$0x18DA8] =	vst v63  }
0x19a: {  	_ =	swait.ge [sflag:s28], $0x3400  }
0x19b: {  	[sflag:s28] =	ssyncset.done $0x0  }
0x19c: {  	[sflag:s28] =	ssyncadd.s32 $0xFFFFCC00  }
0x19d: {  	[spmem:s17] =	stream.linear.scatter [tilespmem:s29], [sflag:$0x2], $0x1A00, $0x38;
	[tilespmem:$0x18DA8] =	vst v63  }
0x19e: {  	_ =	swait.ge [sflag:s28], $0x1A00  }
0x19f: {  	[sflag:s28] =	ssyncset.done $0x0  }
0x1a0: {  	[sflag:s28] =	ssyncadd.s32 $0xFFFFE600  }
0x1a1: {  	s5 =	simm.s32 $0x0;
	[bflag:$0x0] =	sbarrier.arrive $0xFFFF  }
0x1a2: {  	v1 =	vld [tilespmem:s5+$0x1880];
	_ =	sdelay $0x1  }
0x1a3: {  	s23 =	smul.u32 $0x3400, s22;
	_ =	sdelay $0x1  }
0x1a4: {  	v0 =	vmov s23  }
0x1a5: {  	v1 =	vsub.s32 v1, v0  }
0x1a6: {  	v1 =	vmin.u32 v1, $0x3400  }
0x1a7: {  	[tilespmem:$0x3100] =	vst v1  }
0x1a8: {  	v1 =	vld [tilespmem:s5+$0x1890];
	_ =	sdelay $0x4  }
0x1a9: {  	v1 =	vsub.s32 v1, v0  }
0x1aa: {  	v1 =	vmin.u32 v1, $0x3400  }
0x1ab: {  	[tilespmem:$0x3110] =	vst v1  }
0x1ac: {  	v1 =	vld [tilespmem:s5+$0x18A0];
	_ =	sdelay $0x4  }
0x1ad: {  	v1 =	vsub.s32 v1, v0  }
0x1ae: {  	v1 =	vmin.u32 v1, $0x3400  }
0x1af: {  	[tilespmem:$0x3120] =	vst v1  }
0x1b0: {  	v1 =	vld [tilespmem:s5+$0x18B0];
	_ =	sdelay $0x4  }
0x1b1: {  	v1 =	vsub.s32 v1, v0  }
0x1b2: {  	v1 =	vmin.u32 v1, $0x3400  }
0x1b3: {  	[tilespmem:$0x3130] =	vst v1  }
0x1b4: {  	v1 =	vld [tilespmem:s5+$0x18C0];
	_ =	sdelay $0x4  }
0x1b5: {  	v1 =	vsub.s32 v1, v0  }
0x1b6: {  	v1 =	vmin.u32 v1, $0x3400  }
0x1b7: {  	[tilespmem:$0x3140] =	vst v1  }
0x1b8: {  	v1 =	vld [tilespmem:s5+$0x18D0];
	_ =	sdelay $0x4  }
0x1b9: {  	v1 =	vsub.s32 v1, v0  }
0x1ba: {  	v1 =	vmin.u32 v1, $0x3400  }
0x1bb: {  	[tilespmem:$0x3150] =	vst v1  }
0x1bc: {  	v1 =	vld [tilespmem:s5+$0x18E0];
	_ =	sdelay $0x4  }
0x1bd: {  	v1 =	vsub.s32 v1, v0  }
0x1be: {  	v1 =	vmin.u32 v1, $0x3400  }
0x1bf: {  	[tilespmem:$0x3160] =	vst v1  }
0x1c0: {  	v1 =	vld [tilespmem:s5+$0x18F0];
	_ =	sdelay $0x4  }
0x1c1: {  	v1 =	vsub.s32 v1, v0  }
0x1c2: {  	v1 =	vmin.u32 v1, $0x3400  }
0x1c3: {  	[tilespmem:$0x3170] =	vst v1  }
0x1c4: {  	[tilespmem:s7], [sflag:$0x1] =	stream.indirect.gather [hbm4b:s6+s0], $0x40, s5, s0, $0xb8;
	[tilespmem:$0x18DA8] =	vst v63  }
0x1c5: {  	_ =	swait.ge [sflag:s8], $0x2000  }
0x1c6: {  	[sflag:s8] =	ssyncset.done $0x0  }
0x1c7: {  	[sflag:s8] =	ssyncadd.s32 $0xFFFFE000  }
0x1c8: {  	[spmem:s2] =	stream.indirect.scatter.add.bf16 [tilespmem:s7], [sflag:$0x2], $0x40, s9, s0, $0xb8;
	[tilespmem:$0x18DA8] =	vst v63  }
0x1c9: {  	_ =	swait.ge [sflag:s28], $0x2000  }
0x1ca: {  	[sflag:s28] =	ssyncset.done $0x0  }
0x1cb: {  	[sflag:s28] =	ssyncadd.s32 $0xFFFFE000  }
0x1cc: {  	[spmem:s3] =	stream.indirect.scatter.add.f32 [tilespmem:s30], [sflag:$0x2], $0x8, s9, s0, $0xb8;
	[tilespmem:$0x18DA8] =	vst v63  }
0x1cd: {  	_ =	swait.ge [sflag:s28], $0x400  }
0x1ce: {  	s25 =	simm.s32 $0x200;
	s11 =	simm.s32 $0x400;
	[sflag:s28] =	ssyncset.done $0x0  }
.LBB2_11:
0x1cf: {  	s5 =	sshra.s32 s25, $0x2  }
0x1d0: {  	[sflag:s28] =	ssyncadd.s32 $0xFFFFFC00;
	s25 =	smov.u32 s11;
	s31 =	sadd.s32 $0x200, s11  }
0x1d1: {  	p0 =	sne.s32 s11, $0x6000;
	v1 =	vld [tilespmem:s5+$0x1880];
	_ =	sdelay $0x4  }
0x1d2: {  	v1 =	vsub.s32 v1, v0  }
0x1d3: {  	v1 =	vmin.u32 v1, $0x3400  }
0x1d4: {  	[tilespmem:$0x3100] =	vst v1  }
0x1d5: {  	v1 =	vld [tilespmem:s5+$0x1890];
	_ =	sdelay $0x4  }
0x1d6: {  	v1 =	vsub.s32 v1, v0  }
0x1d7: {  	v1 =	vmin.u32 v1, $0x3400  }
0x1d8: {  	[tilespmem:$0x3110] =	vst v1  }
0x1d9: {  	v1 =	vld [tilespmem:s5+$0x18A0];
	_ =	sdelay $0x4  }
0x1da: {  	v1 =	vsub.s32 v1, v0  }
0x1db: {  	v1 =	vmin.u32 v1, $0x3400  }
0x1dc: {  	[tilespmem:$0x3120] =	vst v1  }
0x1dd: {  	v1 =	vld [tilespmem:s5+$0x18B0];
	_ =	sdelay $0x4  }
0x1de: {  	v1 =	vsub.s32 v1, v0  }
0x1df: {  	v1 =	vmin.u32 v1, $0x3400  }
0x1e0: {  	[tilespmem:$0x3130] =	vst v1  }
0x1e1: {  	v1 =	vld [tilespmem:s5+$0x18C0];
	_ =	sdelay $0x4  }
0x1e2: {  	v1 =	vsub.s32 v1, v0  }
0x1e3: {  	v1 =	vmin.u32 v1, $0x3400  }
0x1e4: {  	[tilespmem:$0x3140] =	vst v1  }
0x1e5: {  	v1 =	vld [tilespmem:s5+$0x18D0];
	_ =	sdelay $0x4  }
0x1e6: {  	v1 =	vsub.s32 v1, v0  }
0x1e7: {  	v1 =	vmin.u32 v1, $0x3400  }
0x1e8: {  	[tilespmem:$0x3150] =	vst v1  }
0x1e9: {  	v1 =	vld [tilespmem:s5+$0x18E0];
	_ =	sdelay $0x4  }
0x1ea: {  	v1 =	vsub.s32 v1, v0  }
0x1eb: {  	v1 =	vmin.u32 v1, $0x3400  }
0x1ec: {  	[tilespmem:$0x3160] =	vst v1  }
0x1ed: {  	v1 =	vld [tilespmem:s5+$0x18F0];
	_ =	sdelay $0x4  }
0x1ee: {  	v1 =	vsub.s32 v1, v0  }
0x1ef: {  	v1 =	vmin.u32 v1, $0x3400  }
0x1f0: {  	[tilespmem:$0x3170] =	vst v1  }
0x1f1: {  	[tilespmem:s7], [sflag:$0x1] =	stream.indirect.gather [hbm4b:s6+s0], $0x40, s5, s0, $0xb8;
	[tilespmem:$0x18DA8] =	vst v63  }
0x1f2: {  	_ =	swait.ge [sflag:s8], $0x2000  }
0x1f3: {  	[sflag:s8] =	ssyncset.done $0x0  }
0x1f4: {  	[sflag:s8] =	ssyncadd.s32 $0xFFFFE000  }
0x1f5: {  	[spmem:s2] =	stream.indirect.scatter.add.bf16 [tilespmem:s7], [sflag:$0x2], $0x40, s9, s0, $0xb8;
	[tilespmem:$0x18DA8] =	vst v63  }
0x1f6: {  	_ =	swait.ge [sflag:s28], $0x2000  }
.Ltmp4:
0x1f7: {  	[sflag:s28] =	ssyncset.done $0x0;
	(pc) =	sbr.rel @p0 .LBB2_11-.Ltmp4, $4  }
0x1f8: {  	[sflag:s28] =	ssyncadd.s32 $0xFFFFE000  }
0x1f9: {  	[spmem:s3] =	stream.indirect.scatter.add.f32 [tilespmem:s30], [sflag:$0x2], $0x8, s9, s0, $0xb8;
	[tilespmem:$0x18DA8] =	vst v63  }
0x1fa: {  	_ =	swait.ge [sflag:s28], $0x400  }
0x1fb: {  	s11 =	smov.u32 s31;
	[sflag:s28] =	ssyncset.done $0x0  }
0x1fc: {  	s5 =	sshra.s32 s25, $0x2;
	[sflag:s28] =	ssyncadd.s32 $0xFFFFFC00  }
0x1fd: {  	v1 =	vld [tilespmem:s5+$0x1880];
	_ =	sdelay $0x4  }
0x1fe: {  	v1 =	vsub.s32 v1, v0  }
0x1ff: {  	v1 =	vmin.u32 v1, $0x3400  }
0x200: {  	[tilespmem:$0x3100] =	vst v1  }
0x201: {  	v1 =	vld [tilespmem:s5+$0x1890];
	_ =	sdelay $0x4  }
0x202: {  	v1 =	vsub.s32 v1, v0  }
0x203: {  	v1 =	vmin.u32 v1, $0x3400  }
0x204: {  	[tilespmem:$0x3110] =	vst v1  }
0x205: {  	v1 =	vld [tilespmem:s5+$0x18A0];
	_ =	sdelay $0x4  }
0x206: {  	v1 =	vsub.s32 v1, v0  }
0x207: {  	v1 =	vmin.u32 v1, $0x3400  }
0x208: {  	[tilespmem:$0x3120] =	vst v1  }
0x209: {  	v1 =	vld [tilespmem:s5+$0x18B0];
	_ =	sdelay $0x4  }
0x20a: {  	v1 =	vsub.s32 v1, v0  }
0x20b: {  	v1 =	vmin.u32 v1, $0x3400  }
0x20c: {  	[tilespmem:$0x3130] =	vst v1  }
0x20d: {  	v1 =	vld [tilespmem:s5+$0x18C0];
	_ =	sdelay $0x4  }
0x20e: {  	v1 =	vsub.s32 v1, v0  }
0x20f: {  	v1 =	vmin.u32 v1, $0x3400  }
0x210: {  	[tilespmem:$0x3140] =	vst v1  }
0x211: {  	v1 =	vld [tilespmem:s5+$0x18D0];
	_ =	sdelay $0x4  }
0x212: {  	v1 =	vsub.s32 v1, v0  }
0x213: {  	v1 =	vmin.u32 v1, $0x3400  }
0x214: {  	[tilespmem:$0x3150] =	vst v1  }
0x215: {  	v1 =	vld [tilespmem:s5+$0x18E0];
	_ =	sdelay $0x4  }
0x216: {  	v1 =	vsub.s32 v1, v0  }
0x217: {  	v1 =	vmin.u32 v1, $0x3400  }
0x218: {  	[tilespmem:$0x3160] =	vst v1  }
0x219: {  	v1 =	vld [tilespmem:s5+$0x18F0];
	_ =	sdelay $0x4  }
0x21a: {  	v63 =	vsub.s32 v1, v0  }
0x21b: {  	v0 =	vmin.u32 v63, $0x3400  }
0x21c: {  	[tilespmem:$0x3170] =	vst v0  }
0x21d: {  	[tilespmem:s7], [sflag:$0x1] =	stream.indirect.gather [hbm4b:s6+s0], $0x40, s5, s0, $0xb8;
	[tilespmem:$0x18DA8] =	vst v63  }
0x21e: {  	_ =	swait.ge [sflag:s8], $0x2000  }
0x21f: {  	[sflag:s8] =	ssyncset.done $0x0  }
0x220: {  	[sflag:s8] =	ssyncadd.s32 $0xFFFFE000  }
0x221: {  	[spmem:s2] =	stream.indirect.scatter.add.bf16 [tilespmem:s7], [sflag:$0x2], $0x40, s9, s0, $0xb8;
	[tilespmem:$0x18DA8] =	vst v63  }
0x222: {  	_ =	swait.ge [sflag:s28], $0x2000  }
0x223: {  	[sflag:s28] =	ssyncset.done $0x0  }
0x224: {  	[sflag:s28] =	ssyncadd.s32 $0xFFFFE000  }
0x225: {  	[spmem:s3] =	stream.indirect.scatter.add.f32 [tilespmem:s30], [sflag:$0x2], $0x8, s9, s0, $0xb8;
	[tilespmem:$0x18DA8] =	vst v63  }
0x226: {  	s31 =	sadd.s32 s23, s24;
	_ =	swait.ge [sflag:s28], $0x400  }
0x227: {  	s11 =	sshll.u32 s31, $0x3;
	[sflag:s28] =	ssyncset.done $0x0  }
0x228: {  	s11 =	sand.u32 $0xFFFFE00, s11;
	[sflag:s28] =	ssyncadd.s32 $0xFFFFFC00  }
0x229: {  	s11 =	sadd.s32 s10, s11;
	[bflag:$0x0] =	sbarrier.arrive $0xFFFF  }
0x22a: {  	[hbm:s11], [sflag:s13] =	dma.local [spmem:s19], $0x1A00  }
0x22b: {  	_ =	swait.ge [sflag:s28], $0x1A00  }
0x22c: {  	s22 =	sadd.s32 $0x1, s22;
	[sflag:s28] =	ssyncset.done $0x0  }
0x22d: {  	p0 =	sne.s32 s22, $0x8;
	s5 =	sadd.s32 s1, s31;
	[sflag:s28] =	ssyncadd.s32 $0xFFFFE600  }
0x22e: {  	[hbm:s5], [sflag:s13] =	dma.local [spmem:s20], $0x340  }
.Ltmp5:
0x22f: {  	_ =	swait.ge [sflag:s28], $0x340;
	(pc) =	sbr.rel @p0 .LBB2_10-.Ltmp5, $3  }
0x230: {  	[sflag:s28] =	ssyncset.done $0x0  }
0x231: {  	[sflag:s28] =	ssyncadd.s32 $0xFFFFFCC0  }
0x232: {  	[bflag:$0x0] =	sbarrier.arrive $0xFFFF;
	_ =	sdelay $0x1  }
0x233: {  	s11 =	rddreg [dreg:$0xf]  }
0x234: {  	s5 =	rddreg [dreg:$0xe];
	s11 =	sadd.s32 $0x1, s11  }
0x235: {  	p0 =	sne.s32 s11, s5  }
.Ltmp6:
0x236: {  	_ = 	snop;
	(pc) =	sbr.rel @p0 .LBB2_1-.Ltmp6, $1  }
0x237: {  	_ =	sdelay $0x3  }
0x238: {  	_ =	sfence.sel $0x180000  }
0x239: {  	[bflag:$0x0] =	sbarrier.arrive $0xFFFF  }
0x23a: {  	_ =	strace $0x90000047  }
0x23b: {  	[bflag:$0x2] =	sbarrier.arrive $0xFFFF  }
0x23c: {  	p0 =	sne.s32 s4, $0x0;
	s0 =	rddreg [dreg:$0x4]  }
0x23d: {  	s0 =	sadd.s32 @!p0 $0x100000, s0  }
0x23e: {  	[sflag:s0] =	ssyncadd.tile.s32 @!p0 $0x1;
	_ =	shalt  }
.Lfunc_end2:
_tile_overlayer_lowered:
.L_overlay_start_2:
0x23f: {  	(tag) =	ssettag $0x2  }
0x240: {  	s0 =	rddreg [dreg:$0x0];
	s2 =	stileid.u32  }
0x241: {  	s1 =	rddreg [dreg:$0x1];
	p0 =	sne.s32 s2, $0x0  }
0x242: {  	s3 =	rddreg [dreg:$0x2];
	[bflag:$0x3] =	sbarrier.arrive $0xFFFF;
	s2 =	simm.s32 @!p0 $0x1C02  }
0x243: {  	[timem:s3], [sflag:s2] =	dma.local @!p0 [hbm:s0], s1  }
0x244: {  	s0 =	simm.s32 @!p0 $0x2  }
0x245: {  	_ =	swait.ge @!p0 [sflag:s0], s1  }
0x246: {  	s1 =	ssub.s32 @!p0 $0x0, s1;
	[sflag:s0] =	ssyncset.done @!p0 $0x0  }
0x247: {  	[sflag:s0] =	ssyncadd.s32 @!p0 s1  }
0x248: {  	[bflag:$0x3] =	sbarrier.arrive $0xFFFF  }
0x249: {  	_ =	shalt  }

</sc_bundles>
